<compile_context>
chip_gen: v7x
topology: tpu7x:2x2x1
jax: 0.10.2.dev20260603
libtpu: 0.0.44.dev20260713+nightly
codegen_flags: <defaults>
</compile_context>

<pallas_src>
import functools

import jax
import jax.numpy as jnp
from jax import lax
from jax.experimental import pallas as pl
from jax.experimental.pallas import tpu as pltpu
from jax.experimental.pallas import tpu_sc as plsc

NC = 2
NS = 16
NW = NC * NS

C = 80
_MESH = dict(core_axis_name="c", subcore_axis_name="s", num_cores=NC,
             num_subcores=NS)


def _phase1(edges, i0r, n_nodes):
    E, D = edges.shape
    per_tile = E // NW
    n_chunks = per_tile // C
    EC = 80
    n_pool_chunks = n_nodes // EC
    nsub = D // 16

    @functools.partial(
        pl.kernel,
        out_type=jax.ShapeDtypeStruct((NC, n_nodes, D), jnp.float32),
        mesh=plsc.VectorSubcoreMesh(**_MESH),
        scratch_types=[
            pltpu.VMEM_SHARED((n_nodes, D), jnp.float32),
            pltpu.VMEM((C, D), jnp.float32),
            pltpu.VMEM((C, D), jnp.float32),
            pltpu.VMEM((n_chunks, C), jnp.int32),
            pltpu.VMEM((EC, D), jnp.float32),
            pltpu.SemaphoreType.DMA,
            pltpu.SemaphoreType.DMA,
            pltpu.SemaphoreType.DMA,
            pltpu.SemaphoreType.DMA,
        ],
    )
    def k1(edges_hbm, i0_hbm, out_hbm, pool_sh, rows0, rows1, idx_all, exp_v,
           ld0, ld1, sa0, sa1):
        c = lax.axis_index("c")
        s = lax.axis_index("s")
        wid = c * NS + s
        base = wid * per_tile

        pltpu.sync_copy(i0_hbm.at[wid], idx_all)

        zero = jnp.zeros((16,), jnp.float32)

        def zbody(i, carry):
            r = i // nsub
            j = (i % nsub) * 16
            exp_v[r, pl.ds(j, 16)] = zero
            return carry

        lax.fori_loop(0, EC * nsub, zbody, 0)

        def zchunk(kk, carry):
            @pl.when(kk % NS == s)
            def _():
                pltpu.sync_copy(exp_v, pool_sh.at[pl.ds(kk * EC, EC)])
            return carry

        lax.fori_loop(0, n_pool_chunks, zchunk, 0)
        plsc.subcore_barrier()

        rows = (rows0, rows1)
        ld = (ld0, ld1)
        sa = (sa0, sa1)

        def load(k, b):
            return pltpu.async_copy(
                edges_hbm.at[pl.ds(base + k * C, C)], rows[b], ld[b])

        load(0, 0)
        load(1, 1)

        def body2(g, carry):
            k0 = g * 2
            for b in (0, 1):
                k = k0 + b
                pltpu.make_async_copy(
                    edges_hbm.at[pl.ds(base + k * C, C)], rows[b],
                    ld[b]).wait()
                cp = pltpu.async_copy(rows[b], pool_sh.at[idx_all.at[k]],
                                      sa[b], add=True)
                cp.wait()

                @pl.when(k + 2 < n_chunks)
                def _():
                    load(k + 2, b)
            return carry

        lax.fori_loop(0, n_chunks // 2, body2, 0)
        if n_chunks % 2:
            k = n_chunks - 1
            b = k % 2
            pltpu.make_async_copy(
                edges_hbm.at[pl.ds(base + k * C, C)], rows[b], ld[b]).wait()
            pltpu.async_copy(rows[b], pool_sh.at[idx_all.at[k]], sa[b],
                             add=True).wait()
        plsc.subcore_barrier()

        EC2 = 200
        def echunk(kk, carry):
            @pl.when(kk % NS == s)
            def _():
                r0 = kk * EC2
                pltpu.sync_copy(pool_sh.at[pl.ds(r0, EC2)],
                                out_hbm.at[c, pl.ds(r0, EC2)])
            return carry

        lax.fori_loop(0, n_nodes // EC2, echunk, 0)

    return k1(edges, i0r)


def _combine(partials):
    _, N, D = partials.shape
    BLK = 1000

    def body(p0_ref, p1_ref, o_ref):
        o_ref[...] = p0_ref[...] + p1_ref[...]

    return pl.pallas_call(
        body,
        grid=(N // BLK,),
        in_specs=[pl.BlockSpec((BLK, D), lambda i: (i, 0)),
                  pl.BlockSpec((BLK, D), lambda i: (i, 0))],
        out_specs=pl.BlockSpec((BLK, D), lambda i: (i, 0)),
        out_shape=jax.ShapeDtypeStruct((N, D), jnp.float32),
    )(partials[0], partials[1])


def _phase2(pool, edges, i1r, epr):
    E, D = edges.shape
    per_tile = E // NW
    n_chunks = per_tile // C
    nsub = D // 16

    @functools.partial(
        pl.kernel,
        out_type=jax.ShapeDtypeStruct((E, D), jnp.float32),
        mesh=plsc.VectorSubcoreMesh(**_MESH),
        scratch_types=[
            pltpu.VMEM((C, D), jnp.float32),
            pltpu.VMEM((C, D), jnp.float32),
            pltpu.VMEM((C, D), jnp.float32),
            pltpu.VMEM((C, D), jnp.float32),
            pltpu.VMEM((C, D), jnp.float32),
            pltpu.VMEM((C, D), jnp.float32),
            pltpu.VMEM((n_chunks, C), jnp.int32),
            pltpu.VMEM((n_chunks, C), jnp.int32),
            pltpu.SemaphoreType.DMA,
            pltpu.SemaphoreType.DMA,
            pltpu.SemaphoreType.DMA,
            pltpu.SemaphoreType.DMA,
        ],
    )
    def k2(pool_hbm, edges_hbm, i1_hbm, ep_hbm, out_hbm,
           a0, a1, b0, b1, o0, o1, idx1_all, idxp_all, g0, g1, st0, st1):
        c = lax.axis_index("c")
        s = lax.axis_index("s")
        wid = c * NS + s
        base = wid * per_tile

        pltpu.sync_copy(i1_hbm.at[wid], idx1_all)
        pltpu.sync_copy(ep_hbm.at[wid], idxp_all)

        A = (a0, a1)
        B = (b0, b1)
        O = (o0, o1)
        g = (g0, g1)
        st = (st0, st1)

        def gathers(k, b):
            pltpu.async_copy(pool_hbm.at[idx1_all.at[k]], A[b], g[b])
            pltpu.async_copy(edges_hbm.at[idxp_all.at[k]], B[b], g[b])

        def wait_gathers(k, b):
            pltpu.make_async_copy(pool_hbm.at[idx1_all.at[k]], A[b],
                                  g[b]).wait()
            pltpu.make_async_copy(edges_hbm.at[idxp_all.at[k]], B[b],
                                  g[b]).wait()

        def store(k, b):
            pltpu.async_copy(O[b], out_hbm.at[pl.ds(base + k * C, C)],
                             st[b])

        def wait_store(k, b):
            pltpu.make_async_copy(O[b], out_hbm.at[pl.ds(base + k * C, C)],
                                  st[b]).wait()

        def subtract(b):
            ab, bb, ob = A[b], B[b], O[b]

            def sbody(r, carry):
                for jj in range(nsub):
                    j = jj * 16
                    ob[r, pl.ds(j, 16)] = (ab[r, pl.ds(j, 16)]
                                           - bb[r, pl.ds(j, 16)])
                return carry

            lax.fori_loop(0, C, sbody, 0)

        gathers(0, 0)
        gathers(1, 1)

        def body2(gidx, carry):
            k0 = gidx * 2
            for b in (0, 1):
                k = k0 + b
                wait_gathers(k, b)

                @pl.when(k > 1)
                def _():
                    wait_store(k - 2, b)

                subtract(b)
                store(k, b)

                @pl.when(k + 2 < n_chunks)
                def _():
                    gathers(k + 2, b)
            return carry

        lax.fori_loop(0, n_chunks // 2, body2, 0)
        if n_chunks % 2:
            k = n_chunks - 1
            b = k % 2
            wait_gathers(k, b)
            wait_store(k - 2, b)
            subtract(b)
            store(k, b)
            wait_store(k - 1, 1 - b)
            wait_store(k, b)
        else:
            wait_store(n_chunks - 2, 0)
            wait_store(n_chunks - 1, 1)

    return k2(pool, edges, i1r, epr)


def kernel(nodes, edges, edge_index, edge_pair):
    n_nodes = nodes.shape[0]
    E = edges.shape[0]
    per_tile = E // NW
    n_chunks = per_tile // C
    i0r = edge_index[0].reshape(NW, n_chunks, C)
    i1r = edge_index[1].reshape(NW, n_chunks, C)
    epr = edge_pair[0].reshape(NW, n_chunks, C)
    partials = _phase1(edges, i0r, n_nodes)
    pool = _combine(partials)
    return _phase2(pool, edges, i1r, epr)

# --- scband reference (transcript-rebuilt; emitter-appended) ---
"""Pipeline reference for scband-dmpnnppooling-edges-directed-18906446037511 (READ-ONLY COPY).

The authoritative reference and input builder live on the scoring server;
editing this copy changes nothing except your own understanding.
"""

import jax, jax.numpy as jnp
import numpy as np

N_NODES = 10000
N_EDGES = 320000
D_FEAT = 128


def setup_inputs(seed: int = 0) -> dict:
    key = jax.random.key(seed)
    k1, k2, k3, k4 = jax.random.split(key, 4)
    nodes = jax.random.normal(k1, (N_NODES, D_FEAT), dtype=jnp.float32)
    edges = jax.random.normal(k2, (N_EDGES, D_FEAT), dtype=jnp.float32)
    edge_index = jax.random.randint(k3, (2, N_EDGES), 0, N_NODES, dtype=jnp.int64 if jax.config.jax_enable_x64 else jnp.int32)
    edge_pair = jax.random.randint(k4, (1, N_EDGES), 0, N_EDGES, dtype=jnp.int64 if jax.config.jax_enable_x64 else jnp.int32)
    return {"nodes": nodes, "edges": edges, "edge_index": edge_index, "edge_pair": edge_pair}


def reference(nodes, edges, edge_index, edge_pair):
    # DMPNNPPoolingEdgesDirected:
    #   1. AggregateLocalEdges(scatter_sum): pool edge messages at receiving node edge_index[0]
    #   2. GatherNodesOutgoing: gather pooled node state back to edges via edge_index[1]
    #   3. GatherEdgesPairs: gather the reverse edge message via edge_pair
    #   4. Subtract: new edge message = gathered pooled state - reverse edge message
    n_nodes = nodes.shape[0]
    pool_edge_receive = jax.ops.segment_sum(edges, edge_index[0], num_segments=n_nodes)
    ed_new = jnp.take(pool_edge_receive, edge_index[1], axis=0)
    ed_not = jnp.take(edges, edge_pair[0], axis=0)
    out = ed_new - ed_not
    return out

if __name__ == "__main__":
    import jax
    _d = setup_inputs()
    print(jax.jit(kernel)(*tuple(_d.values())))

</pallas_src>

<mosaic_0001>
#map = affine_map<(d0, d1) -> (0, 0)>
#map1 = affine_map<(d0, d1) -> (0, 0, 0)>
module attributes {stable_mosaic.version = 14 : i64} {
  func.func @k1(%arg0: i32, %arg1: i32, %arg2: memref<320000x128xf32, #tpu.memory_space<hbm>>, %arg3: memref<32x125x80xi32, #tpu.memory_space<hbm>>, %arg4: memref<2x10000x128xf32, #tpu.memory_space<hbm>>, %arg5: memref<10000x128xf32, #tpu.memory_space<vmem_shared>>, %arg6: memref<80x128xf32, #tpu.memory_space<vmem>>, %arg7: memref<80x128xf32, #tpu.memory_space<vmem>>, %arg8: memref<125x80xi32, #tpu.memory_space<vmem>>, %arg9: memref<80x128xf32, #tpu.memory_space<vmem>>, %arg10: memref<!tpu.dma_semaphore, #tpu.memory_space<semaphore_mem>>, %arg11: memref<!tpu.dma_semaphore, #tpu.memory_space<semaphore_mem>>, %arg12: memref<!tpu.dma_semaphore, #tpu.memory_space<semaphore_mem>>, %arg13: memref<!tpu.dma_semaphore, #tpu.memory_space<semaphore_mem>>) attributes {dimension_semantics = [#tpu.dimension_semantics<core_parallel>, #tpu.dimension_semantics<subcore_parallel>], iteration_bounds = array<i64: 2, 16>, scalar_prefetch = 0 : i64, scratch_operands = 9 : i64, tpu.core_type = #tpu.core_type<sc_vector_subcore>, window_params = [{transform_indices = #map}, {transform_indices = #map1}, {transform_indices = #map1}]} {
    %mul3A = arith.constant 16 : i32
    %mul3A_0 = arith.muli %arg0, %mul3A : i32
    %add3A = arith.addi %mul3A_0, %arg1 : i32
    %mul3A_1 = arith.constant 10000 : i32
    %mul3A_2 = arith.muli %add3A, %mul3A_1 : i32
    "tpu.region"() ({
      %run_scoped3A = tpu.sem_alloc : memref<!tpu.dma_semaphore, #tpu.memory_space<semaphore_mem>>
      %dma_start3A_58 = arith.constant 0 : i32
      %dma_start3A_59 = arith.constant 0 : i32
      %dma_start3A_60 = tpu.memref_slice %arg3[%add3A, %dma_start3A_58, %dma_start3A_59] : memref<32x125x80xi32, #tpu.memory_space<hbm>> -> memref<1x125x80xi32, #tpu.memory_space<hbm>>
      %dma_start3A_61 = tpu.memref_squeeze %dma_start3A_60 : memref<1x125x80xi32, #tpu.memory_space<hbm>> -> memref<125x80xi32, #tpu.memory_space<hbm>>
      %dma_start3A_62 = arith.constant 0 : i32
      %dma_start3A_63 = arith.constant 0 : i32
      %dma_start3A_64 = tpu.memref_slice %arg3[%add3A, %dma_start3A_62, %dma_start3A_63] : memref<32x125x80xi32, #tpu.memory_space<hbm>> -> memref<1x125x80xi32, #tpu.memory_space<hbm>>
      %dma_start3A_65 = tpu.memref_squeeze %dma_start3A_64 : memref<1x125x80xi32, #tpu.memory_space<hbm>> -> memref<125x80xi32, #tpu.memory_space<hbm>>
      tpu.enqueue_dma source(%dma_start3A_65 : memref<125x80xi32, #tpu.memory_space<hbm>>) target(%arg8 : memref<125x80xi32, #tpu.memory_space<vmem>>) target_semaphore(%run_scoped3A : memref<!tpu.dma_semaphore, #tpu.memory_space<semaphore_mem>>)
      %dma_wait3A_66 = arith.constant 0 : i32
      %dma_wait3A_67 = arith.constant 0 : i32
      %dma_wait3A_68 = tpu.memref_slice %arg3[%add3A, %dma_wait3A_66, %dma_wait3A_67] : memref<32x125x80xi32, #tpu.memory_space<hbm>> -> memref<1x125x80xi32, #tpu.memory_space<hbm>>
      %dma_wait3A_69 = tpu.memref_squeeze %dma_wait3A_68 : memref<1x125x80xi32, #tpu.memory_space<hbm>> -> memref<125x80xi32, #tpu.memory_space<hbm>>
      %dma_wait3A_70 = arith.constant 0 : i32
      %dma_wait3A_71 = arith.constant 0 : i32
      %dma_wait3A_72 = tpu.memref_slice %arg3[%add3A, %dma_wait3A_70, %dma_wait3A_71] : memref<32x125x80xi32, #tpu.memory_space<hbm>> -> memref<1x125x80xi32, #tpu.memory_space<hbm>>
      %dma_wait3A_73 = tpu.memref_squeeze %dma_wait3A_72 : memref<1x125x80xi32, #tpu.memory_space<hbm>> -> memref<125x80xi32, #tpu.memory_space<hbm>>
      tpu.wait_dma2 semaphore(%run_scoped3A : memref<!tpu.dma_semaphore, #tpu.memory_space<semaphore_mem>>) src(%dma_wait3A_73 : memref<125x80xi32, #tpu.memory_space<hbm>>) dst(%arg8 : memref<125x80xi32, #tpu.memory_space<vmem>>)
      tpu.yield
    }) : () -> ()
    %broadcast_in_dim3A = arith.constant 0.000000e+00 : f32
    %broadcast_in_dim3A_3 = vector.broadcast %broadcast_in_dim3A : f32 to vector<16xf32>
    %scan3A = arith.constant 0 : i32
    %scan3A_4 = arith.constant 0 : i32
    %scan3A_5 = arith.constant 640 : i32
    %scan3A_6 = arith.addi %scan3A_4, %scan3A_5 : i32
    %scan3A_7 = arith.constant 1 : i32
    scf.for %scan3A_58 = %scan3A_4 to %scan3A_6 step %scan3A_7  : i32 {
      %jit3A = arith.constant 8 : i32
      %div3A = arith.divsi %scan3A_58, %jit3A : i32
      %sign3A = arith.constant 0 : i32
      %sign3A_59 = arith.cmpi sgt, %scan3A_58, %sign3A : i32
      %sign3A_60 = arith.extui %sign3A_59 : i1 to i32
      %sign3A_61 = arith.constant 0 : i32
      %sign3A_62 = arith.cmpi slt, %scan3A_58, %sign3A_61 : i32
      %sign3A_63 = arith.extui %sign3A_62 : i1 to i32
      %sign3A_64 = arith.subi %sign3A_60, %sign3A_63 : i32
      %sign3A_65 = arith.constant 0 : i32
      %sign3A_66 = arith.cmpi sgt, %jit3A, %sign3A_65 : i32
      %sign3A_67 = arith.extui %sign3A_66 : i1 to i32
      %sign3A_68 = arith.constant 0 : i32
      %sign3A_69 = arith.cmpi slt, %jit3A, %sign3A_68 : i32
      %sign3A_70 = arith.extui %sign3A_69 : i1 to i32
      %sign3A_71 = arith.subi %sign3A_67, %sign3A_70 : i32
      %ne3A = arith.cmpi ne, %sign3A_64, %sign3A_71 : i32
      %rem3A = arith.remsi %scan3A_58, %jit3A : i32
      %ne3A_72 = arith.constant 0 : i32
      %ne3A_73 = arith.cmpi ne, %rem3A, %ne3A_72 : i32
      %and3A = arith.andi %ne3A, %ne3A_73 : i1
      %sub3A = arith.constant 1 : i32
      %sub3A_74 = arith.subi %div3A, %sub3A : i32
      %select_n3A = arith.select %and3A, %sub3A_74, %div3A : i32
      %jit3A_75 = arith.constant 8 : i32
      %eq3A = arith.constant 0 : i32
      %eq3A_76 = arith.cmpi eq, %jit3A_75, %eq3A : i32
      %jit3A_77 = arith.constant 1 : i32
      %select_n3A_78 = arith.select %eq3A_76, %jit3A_77, %jit3A_75 : i32
      %rem3A_79 = arith.remsi %scan3A_58, %select_n3A_78 : i32
      %ne3A_80 = arith.constant 0 : i32
      %ne3A_81 = arith.cmpi ne, %rem3A_79, %ne3A_80 : i32
      %lt3A = arith.constant 0 : i32
      %lt3A_82 = arith.cmpi slt, %rem3A_79, %lt3A : i32
      %lt3A_83 = arith.constant 0 : i32
      %lt3A_84 = arith.cmpi slt, %select_n3A_78, %lt3A_83 : i32
      %ne3A_85 = arith.xori %lt3A_82, %lt3A_84 : i1
      %and3A_86 = arith.andi %ne3A_85, %ne3A_81 : i1
      %add3A_87 = arith.addi %rem3A_79, %select_n3A_78 : i32
      %select_n3A_88 = arith.select %and3A_86, %add3A_87, %rem3A_79 : i32
      %mul3A_89 = arith.constant 16 : i32
      %mul3A_90 = arith.muli %select_n3A_88, %mul3A_89 : i32
      %swap3A = arith.index_cast %select_n3A : i32 to index
      %swap3A_91 = arith.index_cast %mul3A_90 : i32 to index
      %swap3A_92 = tpu.vector_load %arg9[%swap3A, %swap3A_91] {strides = array<i32>} : memref<80x128xf32, #tpu.memory_space<vmem>>, vector<1x16xf32>,
      %swap3A_93 = vector.shape_cast %swap3A_92 : vector<1x16xf32> to vector<16xf32>
      %swap3A_94 = vector.shape_cast %broadcast_in_dim3A_3 : vector<16xf32> to vector<1x16xf32>
      tpu.vector_store %arg9[%swap3A, %swap3A_91], %swap3A_94 {strides = array<i32>} : memref<80x128xf32, #tpu.memory_space<vmem>>, vector<1x16xf32>,
    }
    %scan3A_8 = arith.constant 640 : i32
    %scan3A_9 = arith.constant 0 : i32
    %scan3A_10 = arith.constant 0 : i32
    %scan3A_11 = arith.constant 125 : i32
    %scan3A_12 = arith.addi %scan3A_10, %scan3A_11 : i32
    %scan3A_13 = arith.constant 1 : i32
    scf.for %scan3A_58 = %scan3A_10 to %scan3A_12 step %scan3A_13  : i32 {
      %jit3A = arith.constant 16 : i32
      %eq3A = arith.constant 0 : i32
      %eq3A_59 = arith.cmpi eq, %jit3A, %eq3A : i32
      %jit3A_60 = arith.constant 1 : i32
      %select_n3A = arith.select %eq3A_59, %jit3A_60, %jit3A : i32
      %rem3A = arith.remsi %scan3A_58, %select_n3A : i32
      %ne3A = arith.constant 0 : i32
      %ne3A_61 = arith.cmpi ne, %rem3A, %ne3A : i32
      %lt3A = arith.constant 0 : i32
      %lt3A_62 = arith.cmpi slt, %rem3A, %lt3A : i32
      %lt3A_63 = arith.constant 0 : i32
      %lt3A_64 = arith.cmpi slt, %select_n3A, %lt3A_63 : i32
      %ne3A_65 = arith.xori %lt3A_62, %lt3A_64 : i1
      %and3A = arith.andi %ne3A_65, %ne3A_61 : i1
      %add3A_66 = arith.addi %rem3A, %select_n3A : i32
      %select_n3A_67 = arith.select %and3A, %add3A_66, %rem3A : i32
      %eq3A_68 = arith.cmpi eq, %select_n3A_67, %arg1 : i32
      %convert_element_type3A = arith.extui %eq3A_68 : i1 to i32
      %cond3A = arith.constant 0 : i32
      %cond3A_69 = arith.cmpi ne, %convert_element_type3A, %cond3A : i32
      scf.if %cond3A_69 {
        %mul3A_70 = arith.constant 80 : i32
        %mul3A_71 = arith.muli %scan3A_58, %mul3A_70 : i32
        "tpu.region"() ({
          %run_scoped3A = tpu.sem_alloc : memref<!tpu.dma_semaphore, #tpu.memory_space<semaphore_mem>>
          %dma_start3A_72 = arith.constant 0 : i32
          %dma_start3A_73 = tpu.memref_slice %arg5[%mul3A_71, %dma_start3A_72] : memref<10000x128xf32, #tpu.memory_space<vmem_shared>> -> memref<80x128xf32, #tpu.memory_space<vmem_shared>>
          %dma_start3A_74 = arith.constant 0 : i32
          %dma_start3A_75 = tpu.memref_slice %arg5[%mul3A_71, %dma_start3A_74] : memref<10000x128xf32, #tpu.memory_space<vmem_shared>> -> memref<80x128xf32, #tpu.memory_space<vmem_shared>>
          tpu.enqueue_dma source(%arg9 : memref<80x128xf32, #tpu.memory_space<vmem>>) target(%dma_start3A_75 : memref<80x128xf32, #tpu.memory_space<vmem_shared>>) target_semaphore(%run_scoped3A : memref<!tpu.dma_semaphore, #tpu.memory_space<semaphore_mem>>)
          %dma_wait3A_76 = arith.constant 0 : i32
          %dma_wait3A_77 = tpu.memref_slice %arg5[%mul3A_71, %dma_wait3A_76] : memref<10000x128xf32, #tpu.memory_space<vmem_shared>> -> memref<80x128xf32, #tpu.memory_space<vmem_shared>>
          %dma_wait3A_78 = arith.constant 0 : i32
          %dma_wait3A_79 = tpu.memref_slice %arg5[%mul3A_71, %dma_wait3A_78] : memref<10000x128xf32, #tpu.memory_space<vmem_shared>> -> memref<80x128xf32, #tpu.memory_space<vmem_shared>>
          tpu.wait_dma2 semaphore(%run_scoped3A : memref<!tpu.dma_semaphore, #tpu.memory_space<semaphore_mem>>) src(%arg9 : memref<80x128xf32, #tpu.memory_space<vmem>>) dst(%dma_wait3A_79 : memref<80x128xf32, #tpu.memory_space<vmem_shared>>)
          tpu.yield
        }) : () -> ()
      } else {
      }
    }
    %scan3A_14 = arith.constant 125 : i32
    %barrier3A = arith.constant 0 : index
    tpu.barrier barrier_id(%barrier3A)
    %add3A_15 = arith.constant 0 : i32
    %add3A_16 = arith.addi %mul3A_2, %add3A_15 : i32
    %dma_start3A = arith.constant 0 : i32
    %dma_start3A_17 = tpu.memref_slice %arg2[%add3A_16, %dma_start3A] : memref<320000x128xf32, #tpu.memory_space<hbm>> -> memref<80x128xf32, #tpu.memory_space<hbm>>
    %dma_start3A_18 = arith.constant 0 : i32
    %dma_start3A_19 = tpu.memref_slice %arg2[%add3A_16, %dma_start3A_18] : memref<320000x128xf32, #tpu.memory_space<hbm>> -> memref<80x128xf32, #tpu.memory_space<hbm>>
    tpu.enqueue_dma source(%dma_start3A_19 : memref<80x128xf32, #tpu.memory_space<hbm>>) target(%arg6 : memref<80x128xf32, #tpu.memory_space<vmem>>) target_semaphore(%arg10 : memref<!tpu.dma_semaphore, #tpu.memory_space<semaphore_mem>>)
    %add3A_20 = arith.constant 80 : i32
    %add3A_21 = arith.addi %mul3A_2, %add3A_20 : i32
    %dma_start3A_22 = arith.constant 0 : i32
    %dma_start3A_23 = tpu.memref_slice %arg2[%add3A_21, %dma_start3A_22] : memref<320000x128xf32, #tpu.memory_space<hbm>> -> memref<80x128xf32, #tpu.memory_space<hbm>>
    %dma_start3A_24 = arith.constant 0 : i32
    %dma_start3A_25 = tpu.memref_slice %arg2[%add3A_21, %dma_start3A_24] : memref<320000x128xf32, #tpu.memory_space<hbm>> -> memref<80x128xf32, #tpu.memory_space<hbm>>
    tpu.enqueue_dma source(%dma_start3A_25 : memref<80x128xf32, #tpu.memory_space<hbm>>) target(%arg7 : memref<80x128xf32, #tpu.memory_space<vmem>>) target_semaphore(%arg11 : memref<!tpu.dma_semaphore, #tpu.memory_space<semaphore_mem>>)
    %scan3A_26 = arith.constant 0 : i32
    %scan3A_27 = arith.constant 0 : i32
    %scan3A_28 = arith.constant 62 : i32
    %scan3A_29 = arith.addi %scan3A_27, %scan3A_28 : i32
    %scan3A_30 = arith.constant 1 : i32
    scf.for %scan3A_58 = %scan3A_27 to %scan3A_29 step %scan3A_30  : i32 {
      %mul3A_59 = arith.constant 2 : i32
      %mul3A_60 = arith.muli %scan3A_58, %mul3A_59 : i32
      %add3A_61 = arith.constant 0 : i32
      %add3A_62 = arith.addi %mul3A_60, %add3A_61 : i32
      %mul3A_63 = arith.constant 80 : i32
      %mul3A_64 = arith.muli %add3A_62, %mul3A_63 : i32
      %add3A_65 = arith.addi %mul3A_2, %mul3A_64 : i32
      %dma_wait3A_66 = arith.constant 0 : i32
      %dma_wait3A_67 = tpu.memref_slice %arg2[%add3A_65, %dma_wait3A_66] : memref<320000x128xf32, #tpu.memory_space<hbm>> -> memref<80x128xf32, #tpu.memory_space<hbm>>
      %dma_wait3A_68 = arith.constant 0 : i32
      %dma_wait3A_69 = tpu.memref_slice %arg2[%add3A_65, %dma_wait3A_68] : memref<320000x128xf32, #tpu.memory_space<hbm>> -> memref<80x128xf32, #tpu.memory_space<hbm>>
      tpu.wait_dma2 semaphore(%arg10 : memref<!tpu.dma_semaphore, #tpu.memory_space<semaphore_mem>>) src(%dma_wait3A_69 : memref<80x128xf32, #tpu.memory_space<hbm>>) dst(%arg6 : memref<80x128xf32, #tpu.memory_space<vmem>>)
      %dma_start3A_70 = arith.constant 0 : i32
      %dma_start3A_71 = tpu.memref_slice %arg8[%add3A_62, %dma_start3A_70] : memref<125x80xi32, #tpu.memory_space<vmem>> -> memref<1x80xi32, #tpu.memory_space<vmem>>
      %dma_start3A_72 = tpu.memref_squeeze %dma_start3A_71 : memref<1x80xi32, #tpu.memory_space<vmem>> -> memref<80xi32, #tpu.memory_space<vmem>>
      %dma_start3A_73 = arith.constant 0 : i32
      %dma_start3A_74 = arith.constant 0 : i32
      %dma_start3A_75 = tpu.memref_slice %arg5[%dma_start3A_73, %dma_start3A_74] : memref<10000x128xf32, #tpu.memory_space<vmem_shared>> -> memref<10000x128xf32, #tpu.memory_space<vmem_shared>>
      tpu.enqueue_indirect_dma source(%arg6 : memref<80x128xf32, #tpu.memory_space<vmem>>) target(%dma_start3A_75 : memref<10000x128xf32, #tpu.memory_space<vmem_shared>>) offsets(%dma_start3A_72 : memref<80xi32, #tpu.memory_space<vmem>>) semaphore(%arg12 : memref<!tpu.dma_semaphore, #tpu.memory_space<semaphore_mem>>) {add = true}
      %dma_wait3A_76 = arith.constant 0 : i32
      %dma_wait3A_77 = tpu.memref_slice %arg8[%add3A_62, %dma_wait3A_76] : memref<125x80xi32, #tpu.memory_space<vmem>> -> memref<1x80xi32, #tpu.memory_space<vmem>>
      %dma_wait3A_78 = tpu.memref_squeeze %dma_wait3A_77 : memref<1x80xi32, #tpu.memory_space<vmem>> -> memref<80xi32, #tpu.memory_space<vmem>>
      %dma_wait3A_79 = arith.constant 0 : i32
      %dma_wait3A_80 = arith.constant 0 : i32
      %dma_wait3A_81 = tpu.memref_slice %arg5[%dma_wait3A_79, %dma_wait3A_80] : memref<10000x128xf32, #tpu.memory_space<vmem_shared>> -> memref<10000x128xf32, #tpu.memory_space<vmem_shared>>
      tpu.wait_indirect_dma semaphore(%arg12 : memref<!tpu.dma_semaphore, #tpu.memory_space<semaphore_mem>>) src(%arg6 : memref<80x128xf32, #tpu.memory_space<vmem>>) dst(%dma_wait3A_81 : memref<10000x128xf32, #tpu.memory_space<vmem_shared>>)
      %add3A_82 = arith.constant 2 : i32
      %add3A_83 = arith.addi %add3A_62, %add3A_82 : i32
      %lt3A = arith.constant 125 : i32
      %lt3A_84 = arith.cmpi slt, %add3A_83, %lt3A : i32
      %convert_element_type3A = arith.extui %lt3A_84 : i1 to i32
      %cond3A = arith.constant 0 : i32
      %cond3A_85 = arith.cmpi ne, %convert_element_type3A, %cond3A : i32
      scf.if %cond3A_85 {
        %add3A_114 = arith.constant 2 : i32
        %add3A_115 = arith.addi %add3A_62, %add3A_114 : i32
        %mul3A_116 = arith.constant 80 : i32
        %mul3A_117 = arith.muli %add3A_115, %mul3A_116 : i32
        %add3A_118 = arith.addi %mul3A_2, %mul3A_117 : i32
        %dma_start3A_119 = arith.constant 0 : i32
        %dma_start3A_120 = tpu.memref_slice %arg2[%add3A_118, %dma_start3A_119] : memref<320000x128xf32, #tpu.memory_space<hbm>> -> memref<80x128xf32, #tpu.memory_space<hbm>>
        %dma_start3A_121 = arith.constant 0 : i32
        %dma_start3A_122 = tpu.memref_slice %arg2[%add3A_118, %dma_start3A_121] : memref<320000x128xf32, #tpu.memory_space<hbm>> -> memref<80x128xf32, #tpu.memory_space<hbm>>
        tpu.enqueue_dma source(%dma_start3A_122 : memref<80x128xf32, #tpu.memory_space<hbm>>) target(%arg6 : memref<80x128xf32, #tpu.memory_space<vmem>>) target_semaphore(%arg10 : memref<!tpu.dma_semaphore, #tpu.memory_space<semaphore_mem>>)
      } else {
      }
      %add3A_86 = arith.constant 1 : i32
      %add3A_87 = arith.addi %mul3A_60, %add3A_86 : i32
      %mul3A_88 = arith.constant 80 : i32
      %mul3A_89 = arith.muli %add3A_87, %mul3A_88 : i32
      %add3A_90 = arith.addi %mul3A_2, %mul3A_89 : i32
      %dma_wait3A_91 = arith.constant 0 : i32
      %dma_wait3A_92 = tpu.memref_slice %arg2[%add3A_90, %dma_wait3A_91] : memref<320000x128xf32, #tpu.memory_space<hbm>> -> memref<80x128xf32, #tpu.memory_space<hbm>>
      %dma_wait3A_93 = arith.constant 0 : i32
      %dma_wait3A_94 = tpu.memref_slice %arg2[%add3A_90, %dma_wait3A_93] : memref<320000x128xf32, #tpu.memory_space<hbm>> -> memref<80x128xf32, #tpu.memory_space<hbm>>
      tpu.wait_dma2 semaphore(%arg11 : memref<!tpu.dma_semaphore, #tpu.memory_space<semaphore_mem>>) src(%dma_wait3A_94 : memref<80x128xf32, #tpu.memory_space<hbm>>) dst(%arg7 : memref<80x128xf32, #tpu.memory_space<vmem>>)
      %dma_start3A_95 = arith.constant 0 : i32
      %dma_start3A_96 = tpu.memref_slice %arg8[%add3A_87, %dma_start3A_95] : memref<125x80xi32, #tpu.memory_space<vmem>> -> memref<1x80xi32, #tpu.memory_space<vmem>>
      %dma_start3A_97 = tpu.memref_squeeze %dma_start3A_96 : memref<1x80xi32, #tpu.memory_space<vmem>> -> memref<80xi32, #tpu.memory_space<vmem>>
      %dma_start3A_98 = arith.constant 0 : i32
      %dma_start3A_99 = arith.constant 0 : i32
      %dma_start3A_100 = tpu.memref_slice %arg5[%dma_start3A_98, %dma_start3A_99] : memref<10000x128xf32, #tpu.memory_space<vmem_shared>> -> memref<10000x128xf32, #tpu.memory_space<vmem_shared>>
      tpu.enqueue_indirect_dma source(%arg7 : memref<80x128xf32, #tpu.memory_space<vmem>>) target(%dma_start3A_100 : memref<10000x128xf32, #tpu.memory_space<vmem_shared>>) offsets(%dma_start3A_97 : memref<80xi32, #tpu.memory_space<vmem>>) semaphore(%arg13 : memref<!tpu.dma_semaphore, #tpu.memory_space<semaphore_mem>>) {add = true}
      %dma_wait3A_101 = arith.constant 0 : i32
      %dma_wait3A_102 = tpu.memref_slice %arg8[%add3A_87, %dma_wait3A_101] : memref<125x80xi32, #tpu.memory_space<vmem>> -> memref<1x80xi32, #tpu.memory_space<vmem>>
      %dma_wait3A_103 = tpu.memref_squeeze %dma_wait3A_102 : memref<1x80xi32, #tpu.memory_space<vmem>> -> memref<80xi32, #tpu.memory_space<vmem>>
      %dma_wait3A_104 = arith.constant 0 : i32
      %dma_wait3A_105 = arith.constant 0 : i32
      %dma_wait3A_106 = tpu.memref_slice %arg5[%dma_wait3A_104, %dma_wait3A_105] : memref<10000x128xf32, #tpu.memory_space<vmem_shared>> -> memref<10000x128xf32, #tpu.memory_space<vmem_shared>>
      tpu.wait_indirect_dma semaphore(%arg13 : memref<!tpu.dma_semaphore, #tpu.memory_space<semaphore_mem>>) src(%arg7 : memref<80x128xf32, #tpu.memory_space<vmem>>) dst(%dma_wait3A_106 : memref<10000x128xf32, #tpu.memory_space<vmem_shared>>)
      %add3A_107 = arith.constant 2 : i32
      %add3A_108 = arith.addi %add3A_87, %add3A_107 : i32
      %lt3A_109 = arith.constant 125 : i32
      %lt3A_110 = arith.cmpi slt, %add3A_108, %lt3A_109 : i32
      %convert_element_type3A_111 = arith.extui %lt3A_110 : i1 to i32
      %cond3A_112 = arith.constant 0 : i32
      %cond3A_113 = arith.cmpi ne, %convert_element_type3A_111, %cond3A_112 : i32
      scf.if %cond3A_113 {
        %add3A_114 = arith.constant 2 : i32
        %add3A_115 = arith.addi %add3A_87, %add3A_114 : i32
        %mul3A_116 = arith.constant 80 : i32
        %mul3A_117 = arith.muli %add3A_115, %mul3A_116 : i32
        %add3A_118 = arith.addi %mul3A_2, %mul3A_117 : i32
        %dma_start3A_119 = arith.constant 0 : i32
        %dma_start3A_120 = tpu.memref_slice %arg2[%add3A_118, %dma_start3A_119] : memref<320000x128xf32, #tpu.memory_space<hbm>> -> memref<80x128xf32, #tpu.memory_space<hbm>>
        %dma_start3A_121 = arith.constant 0 : i32
        %dma_start3A_122 = tpu.memref_slice %arg2[%add3A_118, %dma_start3A_121] : memref<320000x128xf32, #tpu.memory_space<hbm>> -> memref<80x128xf32, #tpu.memory_space<hbm>>
        tpu.enqueue_dma source(%dma_start3A_122 : memref<80x128xf32, #tpu.memory_space<hbm>>) target(%arg7 : memref<80x128xf32, #tpu.memory_space<vmem>>) target_semaphore(%arg11 : memref<!tpu.dma_semaphore, #tpu.memory_space<semaphore_mem>>)
      } else {
      }
    }
    %scan3A_31 = arith.constant 62 : i32
    %add3A_32 = arith.constant 9920 : i32
    %add3A_33 = arith.addi %mul3A_2, %add3A_32 : i32
    %dma_wait3A = arith.constant 0 : i32
    %dma_wait3A_34 = tpu.memref_slice %arg2[%add3A_33, %dma_wait3A] : memref<320000x128xf32, #tpu.memory_space<hbm>> -> memref<80x128xf32, #tpu.memory_space<hbm>>
    %dma_wait3A_35 = arith.constant 0 : i32
    %dma_wait3A_36 = tpu.memref_slice %arg2[%add3A_33, %dma_wait3A_35] : memref<320000x128xf32, #tpu.memory_space<hbm>> -> memref<80x128xf32, #tpu.memory_space<hbm>>
    tpu.wait_dma2 semaphore(%arg10 : memref<!tpu.dma_semaphore, #tpu.memory_space<semaphore_mem>>) src(%dma_wait3A_36 : memref<80x128xf32, #tpu.memory_space<hbm>>) dst(%arg6 : memref<80x128xf32, #tpu.memory_space<vmem>>)
    %dma_start3A_37 = arith.constant 124 : i32
    %dma_start3A_38 = arith.constant 0 : i32
    %dma_start3A_39 = tpu.memref_slice %arg8[%dma_start3A_37, %dma_start3A_38] : memref<125x80xi32, #tpu.memory_space<vmem>> -> memref<1x80xi32, #tpu.memory_space<vmem>>
    %dma_start3A_40 = tpu.memref_squeeze %dma_start3A_39 : memref<1x80xi32, #tpu.memory_space<vmem>> -> memref<80xi32, #tpu.memory_space<vmem>>
    %dma_start3A_41 = arith.constant 0 : i32
    %dma_start3A_42 = arith.constant 0 : i32
    %dma_start3A_43 = tpu.memref_slice %arg5[%dma_start3A_41, %dma_start3A_42] : memref<10000x128xf32, #tpu.memory_space<vmem_shared>> -> memref<10000x128xf32, #tpu.memory_space<vmem_shared>>
    tpu.enqueue_indirect_dma source(%arg6 : memref<80x128xf32, #tpu.memory_space<vmem>>) target(%dma_start3A_43 : memref<10000x128xf32, #tpu.memory_space<vmem_shared>>) offsets(%dma_start3A_40 : memref<80xi32, #tpu.memory_space<vmem>>) semaphore(%arg12 : memref<!tpu.dma_semaphore, #tpu.memory_space<semaphore_mem>>) {add = true}
    %dma_wait3A_44 = arith.constant 124 : i32
    %dma_wait3A_45 = arith.constant 0 : i32
    %dma_wait3A_46 = tpu.memref_slice %arg8[%dma_wait3A_44, %dma_wait3A_45] : memref<125x80xi32, #tpu.memory_space<vmem>> -> memref<1x80xi32, #tpu.memory_space<vmem>>
    %dma_wait3A_47 = tpu.memref_squeeze %dma_wait3A_46 : memref<1x80xi32, #tpu.memory_space<vmem>> -> memref<80xi32, #tpu.memory_space<vmem>>
    %dma_wait3A_48 = arith.constant 0 : i32
    %dma_wait3A_49 = arith.constant 0 : i32
    %dma_wait3A_50 = tpu.memref_slice %arg5[%dma_wait3A_48, %dma_wait3A_49] : memref<10000x128xf32, #tpu.memory_space<vmem_shared>> -> memref<10000x128xf32, #tpu.memory_space<vmem_shared>>
    tpu.wait_indirect_dma semaphore(%arg12 : memref<!tpu.dma_semaphore, #tpu.memory_space<semaphore_mem>>) src(%arg6 : memref<80x128xf32, #tpu.memory_space<vmem>>) dst(%dma_wait3A_50 : memref<10000x128xf32, #tpu.memory_space<vmem_shared>>)
    %barrier3A_51 = arith.constant 0 : index
    tpu.barrier barrier_id(%barrier3A_51)
    %scan3A_52 = arith.constant 0 : i32
    %scan3A_53 = arith.constant 0 : i32
    %scan3A_54 = arith.constant 50 : i32
    %scan3A_55 = arith.addi %scan3A_53, %scan3A_54 : i32
    %scan3A_56 = arith.constant 1 : i32
    scf.for %scan3A_58 = %scan3A_53 to %scan3A_55 step %scan3A_56  : i32 {
      %jit3A = arith.constant 16 : i32
      %eq3A = arith.constant 0 : i32
      %eq3A_59 = arith.cmpi eq, %jit3A, %eq3A : i32
      %jit3A_60 = arith.constant 1 : i32
      %select_n3A = arith.select %eq3A_59, %jit3A_60, %jit3A : i32
      %rem3A = arith.remsi %scan3A_58, %select_n3A : i32
      %ne3A = arith.constant 0 : i32
      %ne3A_61 = arith.cmpi ne, %rem3A, %ne3A : i32
      %lt3A = arith.constant 0 : i32
      %lt3A_62 = arith.cmpi slt, %rem3A, %lt3A : i32
      %lt3A_63 = arith.constant 0 : i32
      %lt3A_64 = arith.cmpi slt, %select_n3A, %lt3A_63 : i32
      %ne3A_65 = arith.xori %lt3A_62, %lt3A_64 : i1
      %and3A = arith.andi %ne3A_65, %ne3A_61 : i1
      %add3A_66 = arith.addi %rem3A, %select_n3A : i32
      %select_n3A_67 = arith.select %and3A, %add3A_66, %rem3A : i32
      %eq3A_68 = arith.cmpi eq, %select_n3A_67, %arg1 : i32
      %convert_element_type3A = arith.extui %eq3A_68 : i1 to i32
      %cond3A = arith.constant 0 : i32
      %cond3A_69 = arith.cmpi ne, %convert_element_type3A, %cond3A : i32
      scf.if %cond3A_69 {
        %mul3A_70 = arith.constant 200 : i32
        %mul3A_71 = arith.muli %scan3A_58, %mul3A_70 : i32
        "tpu.region"() ({
          %run_scoped3A = tpu.sem_alloc : memref<!tpu.dma_semaphore, #tpu.memory_space<semaphore_mem>>
          %dma_start3A_72 = arith.constant 0 : i32
          %dma_start3A_73 = tpu.memref_slice %arg4[%arg0, %mul3A_71, %dma_start3A_72] : memref<2x10000x128xf32, #tpu.memory_space<hbm>> -> memref<1x200x128xf32, #tpu.memory_space<hbm>>
          %dma_start3A_74 = tpu.memref_squeeze %dma_start3A_73 : memref<1x200x128xf32, #tpu.memory_space<hbm>> -> memref<200x128xf32, #tpu.memory_space<hbm>>
          %dma_start3A_75 = arith.constant 0 : i32
          %dma_start3A_76 = tpu.memref_slice %arg5[%mul3A_71, %dma_start3A_75] : memref<10000x128xf32, #tpu.memory_space<vmem_shared>> -> memref<200x128xf32, #tpu.memory_space<vmem_shared>>
          tpu.enqueue_dma source(%dma_start3A_76 : memref<200x128xf32, #tpu.memory_space<vmem_shared>>) target(%dma_start3A_74 : memref<200x128xf32, #tpu.memory_space<hbm>>) target_semaphore(%run_scoped3A : memref<!tpu.dma_semaphore, #tpu.memory_space<semaphore_mem>>)
          %dma_wait3A_77 = arith.constant 0 : i32
          %dma_wait3A_78 = tpu.memref_slice %arg4[%arg0, %mul3A_71, %dma_wait3A_77] : memref<2x10000x128xf32, #tpu.memory_space<hbm>> -> memref<1x200x128xf32, #tpu.memory_space<hbm>>
          %dma_wait3A_79 = tpu.memref_squeeze %dma_wait3A_78 : memref<1x200x128xf32, #tpu.memory_space<hbm>> -> memref<200x128xf32, #tpu.memory_space<hbm>>
          %dma_wait3A_80 = arith.constant 0 : i32
          %dma_wait3A_81 = tpu.memref_slice %arg5[%mul3A_71, %dma_wait3A_80] : memref<10000x128xf32, #tpu.memory_space<vmem_shared>> -> memref<200x128xf32, #tpu.memory_space<vmem_shared>>
          tpu.wait_dma2 semaphore(%run_scoped3A : memref<!tpu.dma_semaphore, #tpu.memory_space<semaphore_mem>>) src(%dma_wait3A_81 : memref<200x128xf32, #tpu.memory_space<vmem_shared>>) dst(%dma_wait3A_79 : memref<200x128xf32, #tpu.memory_space<hbm>>)
          tpu.yield
        }) : () -> ()
      } else {
      }
    }
    %scan3A_57 = arith.constant 50 : i32
    return
  }
}

#map = affine_map<(d0, d1) -> (0, 0)>
#map1 = affine_map<(d0, d1) -> (0, 0, 0)>
module attributes {stable_mosaic.version = 14 : i64} {
  func.func @k2(%arg0: i32, %arg1: i32, %arg2: memref<10000x128xf32, #tpu.memory_space<hbm>>, %arg3: memref<320000x128xf32, #tpu.memory_space<hbm>>, %arg4: memref<32x125x80xi32, #tpu.memory_space<hbm>>, %arg5: memref<32x125x80xi32, #tpu.memory_space<hbm>>, %arg6: memref<320000x128xf32, #tpu.memory_space<hbm>>, %arg7: memref<80x128xf32, #tpu.memory_space<vmem>>, %arg8: memref<80x128xf32, #tpu.memory_space<vmem>>, %arg9: memref<80x128xf32, #tpu.memory_space<vmem>>, %arg10: memref<80x128xf32, #tpu.memory_space<vmem>>, %arg11: memref<80x128xf32, #tpu.memory_space<vmem>>, %arg12: memref<80x128xf32, #tpu.memory_space<vmem>>, %arg13: memref<125x80xi32, #tpu.memory_space<vmem>>, %arg14: memref<125x80xi32, #tpu.memory_space<vmem>>, %arg15: memref<!tpu.dma_semaphore, #tpu.memory_space<semaphore_mem>>, %arg16: memref<!tpu.dma_semaphore, #tpu.memory_space<semaphore_mem>>, %arg17: memref<!tpu.dma_semaphore, #tpu.memory_space<semaphore_mem>>, %arg18: memref<!tpu.dma_semaphore, #tpu.memory_space<semaphore_mem>>) attributes {dimension_semantics = [#tpu.dimension_semantics<core_parallel>, #tpu.dimension_semantics<subcore_parallel>], iteration_bounds = array<i64: 2, 16>, scalar_prefetch = 0 : i64, scratch_operands = 12 : i64, tpu.core_type = #tpu.core_type<sc_vector_subcore>, window_params = [{transform_indices = #map}, {transform_indices = #map}, {transform_indices = #map1}, {transform_indices = #map1}, {transform_indices = #map}]} {
    %mul3A = arith.constant 16 : i32
    %mul3A_0 = arith.muli %arg0, %mul3A : i32
    %add3A = arith.addi %mul3A_0, %arg1 : i32
    %mul3A_1 = arith.constant 10000 : i32
    %mul3A_2 = arith.muli %add3A, %mul3A_1 : i32
    "tpu.region"() ({
      %run_scoped3A = tpu.sem_alloc : memref<!tpu.dma_semaphore, #tpu.memory_space<semaphore_mem>>
      %dma_start3A_78 = arith.constant 0 : i32
      %dma_start3A_79 = arith.constant 0 : i32
      %dma_start3A_80 = tpu.memref_slice %arg4[%add3A, %dma_start3A_78, %dma_start3A_79] : memref<32x125x80xi32, #tpu.memory_space<hbm>> -> memref<1x125x80xi32, #tpu.memory_space<hbm>>
      %dma_start3A_81 = tpu.memref_squeeze %dma_start3A_80 : memref<1x125x80xi32, #tpu.memory_space<hbm>> -> memref<125x80xi32, #tpu.memory_space<hbm>>
      %dma_start3A_82 = arith.constant 0 : i32
      %dma_start3A_83 = arith.constant 0 : i32
      %dma_start3A_84 = tpu.memref_slice %arg4[%add3A, %dma_start3A_82, %dma_start3A_83] : memref<32x125x80xi32, #tpu.memory_space<hbm>> -> memref<1x125x80xi32, #tpu.memory_space<hbm>>
      %dma_start3A_85 = tpu.memref_squeeze %dma_start3A_84 : memref<1x125x80xi32, #tpu.memory_space<hbm>> -> memref<125x80xi32, #tpu.memory_space<hbm>>
      tpu.enqueue_dma source(%dma_start3A_85 : memref<125x80xi32, #tpu.memory_space<hbm>>) target(%arg13 : memref<125x80xi32, #tpu.memory_space<vmem>>) target_semaphore(%run_scoped3A : memref<!tpu.dma_semaphore, #tpu.memory_space<semaphore_mem>>)
      %dma_wait3A_86 = arith.constant 0 : i32
      %dma_wait3A_87 = arith.constant 0 : i32
      %dma_wait3A_88 = tpu.memref_slice %arg4[%add3A, %dma_wait3A_86, %dma_wait3A_87] : memref<32x125x80xi32, #tpu.memory_space<hbm>> -> memref<1x125x80xi32, #tpu.memory_space<hbm>>
      %dma_wait3A_89 = tpu.memref_squeeze %dma_wait3A_88 : memref<1x125x80xi32, #tpu.memory_space<hbm>> -> memref<125x80xi32, #tpu.memory_space<hbm>>
      %dma_wait3A_90 = arith.constant 0 : i32
      %dma_wait3A_91 = arith.constant 0 : i32
      %dma_wait3A_92 = tpu.memref_slice %arg4[%add3A, %dma_wait3A_90, %dma_wait3A_91] : memref<32x125x80xi32, #tpu.memory_space<hbm>> -> memref<1x125x80xi32, #tpu.memory_space<hbm>>
      %dma_wait3A_93 = tpu.memref_squeeze %dma_wait3A_92 : memref<1x125x80xi32, #tpu.memory_space<hbm>> -> memref<125x80xi32, #tpu.memory_space<hbm>>
      tpu.wait_dma2 semaphore(%run_scoped3A : memref<!tpu.dma_semaphore, #tpu.memory_space<semaphore_mem>>) src(%dma_wait3A_93 : memref<125x80xi32, #tpu.memory_space<hbm>>) dst(%arg13 : memref<125x80xi32, #tpu.memory_space<vmem>>)
      tpu.yield
    }) : () -> ()
    "tpu.region"() ({
      %run_scoped3A = tpu.sem_alloc : memref<!tpu.dma_semaphore, #tpu.memory_space<semaphore_mem>>
      %dma_start3A_78 = arith.constant 0 : i32
      %dma_start3A_79 = arith.constant 0 : i32
      %dma_start3A_80 = tpu.memref_slice %arg5[%add3A, %dma_start3A_78, %dma_start3A_79] : memref<32x125x80xi32, #tpu.memory_space<hbm>> -> memref<1x125x80xi32, #tpu.memory_space<hbm>>
      %dma_start3A_81 = tpu.memref_squeeze %dma_start3A_80 : memref<1x125x80xi32, #tpu.memory_space<hbm>> -> memref<125x80xi32, #tpu.memory_space<hbm>>
      %dma_start3A_82 = arith.constant 0 : i32
      %dma_start3A_83 = arith.constant 0 : i32
      %dma_start3A_84 = tpu.memref_slice %arg5[%add3A, %dma_start3A_82, %dma_start3A_83] : memref<32x125x80xi32, #tpu.memory_space<hbm>> -> memref<1x125x80xi32, #tpu.memory_space<hbm>>
      %dma_start3A_85 = tpu.memref_squeeze %dma_start3A_84 : memref<1x125x80xi32, #tpu.memory_space<hbm>> -> memref<125x80xi32, #tpu.memory_space<hbm>>
      tpu.enqueue_dma source(%dma_start3A_85 : memref<125x80xi32, #tpu.memory_space<hbm>>) target(%arg14 : memref<125x80xi32, #tpu.memory_space<vmem>>) target_semaphore(%run_scoped3A : memref<!tpu.dma_semaphore, #tpu.memory_space<semaphore_mem>>)
      %dma_wait3A_86 = arith.constant 0 : i32
      %dma_wait3A_87 = arith.constant 0 : i32
      %dma_wait3A_88 = tpu.memref_slice %arg5[%add3A, %dma_wait3A_86, %dma_wait3A_87] : memref<32x125x80xi32, #tpu.memory_space<hbm>> -> memref<1x125x80xi32, #tpu.memory_space<hbm>>
      %dma_wait3A_89 = tpu.memref_squeeze %dma_wait3A_88 : memref<1x125x80xi32, #tpu.memory_space<hbm>> -> memref<125x80xi32, #tpu.memory_space<hbm>>
      %dma_wait3A_90 = arith.constant 0 : i32
      %dma_wait3A_91 = arith.constant 0 : i32
      %dma_wait3A_92 = tpu.memref_slice %arg5[%add3A, %dma_wait3A_90, %dma_wait3A_91] : memref<32x125x80xi32, #tpu.memory_space<hbm>> -> memref<1x125x80xi32, #tpu.memory_space<hbm>>
      %dma_wait3A_93 = tpu.memref_squeeze %dma_wait3A_92 : memref<1x125x80xi32, #tpu.memory_space<hbm>> -> memref<125x80xi32, #tpu.memory_space<hbm>>
      tpu.wait_dma2 semaphore(%run_scoped3A : memref<!tpu.dma_semaphore, #tpu.memory_space<semaphore_mem>>) src(%dma_wait3A_93 : memref<125x80xi32, #tpu.memory_space<hbm>>) dst(%arg14 : memref<125x80xi32, #tpu.memory_space<vmem>>)
      tpu.yield
    }) : () -> ()
    %dma_start3A = arith.constant 0 : i32
    %dma_start3A_3 = arith.constant 0 : i32
    %dma_start3A_4 = tpu.memref_slice %arg13[%dma_start3A, %dma_start3A_3] : memref<125x80xi32, #tpu.memory_space<vmem>> -> memref<1x80xi32, #tpu.memory_space<vmem>>
    %dma_start3A_5 = tpu.memref_squeeze %dma_start3A_4 : memref<1x80xi32, #tpu.memory_space<vmem>> -> memref<80xi32, #tpu.memory_space<vmem>>
    %dma_start3A_6 = arith.constant 0 : i32
    %dma_start3A_7 = arith.constant 0 : i32
    %dma_start3A_8 = tpu.memref_slice %arg2[%dma_start3A_6, %dma_start3A_7] : memref<10000x128xf32, #tpu.memory_space<hbm>> -> memref<10000x128xf32, #tpu.memory_space<hbm>>
    tpu.enqueue_indirect_dma source(%dma_start3A_8 : memref<10000x128xf32, #tpu.memory_space<hbm>>) target(%arg7 : memref<80x128xf32, #tpu.memory_space<vmem>>) offsets(%dma_start3A_5 : memref<80xi32, #tpu.memory_space<vmem>>) semaphore(%arg15 : memref<!tpu.dma_semaphore, #tpu.memory_space<semaphore_mem>>)
    %dma_start3A_9 = arith.constant 0 : i32
    %dma_start3A_10 = arith.constant 0 : i32
    %dma_start3A_11 = tpu.memref_slice %arg14[%dma_start3A_9, %dma_start3A_10] : memref<125x80xi32, #tpu.memory_space<vmem>> -> memref<1x80xi32, #tpu.memory_space<vmem>>
    %dma_start3A_12 = tpu.memref_squeeze %dma_start3A_11 : memref<1x80xi32, #tpu.memory_space<vmem>> -> memref<80xi32, #tpu.memory_space<vmem>>
    %dma_start3A_13 = arith.constant 0 : i32
    %dma_start3A_14 = arith.constant 0 : i32
    %dma_start3A_15 = tpu.memref_slice %arg3[%dma_start3A_13, %dma_start3A_14] : memref<320000x128xf32, #tpu.memory_space<hbm>> -> memref<320000x128xf32, #tpu.memory_space<hbm>>
    tpu.enqueue_indirect_dma source(%dma_start3A_15 : memref<320000x128xf32, #tpu.memory_space<hbm>>) target(%arg9 : memref<80x128xf32, #tpu.memory_space<vmem>>) offsets(%dma_start3A_12 : memref<80xi32, #tpu.memory_space<vmem>>) semaphore(%arg15 : memref<!tpu.dma_semaphore, #tpu.memory_space<semaphore_mem>>)
    %dma_start3A_16 = arith.constant 1 : i32
    %dma_start3A_17 = arith.constant 0 : i32
    %dma_start3A_18 = tpu.memref_slice %arg13[%dma_start3A_16, %dma_start3A_17] : memref<125x80xi32, #tpu.memory_space<vmem>> -> memref<1x80xi32, #tpu.memory_space<vmem>>
    %dma_start3A_19 = tpu.memref_squeeze %dma_start3A_18 : memref<1x80xi32, #tpu.memory_space<vmem>> -> memref<80xi32, #tpu.memory_space<vmem>>
    %dma_start3A_20 = arith.constant 0 : i32
    %dma_start3A_21 = arith.constant 0 : i32
    %dma_start3A_22 = tpu.memref_slice %arg2[%dma_start3A_20, %dma_start3A_21] : memref<10000x128xf32, #tpu.memory_space<hbm>> -> memref<10000x128xf32, #tpu.memory_space<hbm>>
    tpu.enqueue_indirect_dma source(%dma_start3A_22 : memref<10000x128xf32, #tpu.memory_space<hbm>>) target(%arg8 : memref<80x128xf32, #tpu.memory_space<vmem>>) offsets(%dma_start3A_19 : memref<80xi32, #tpu.memory_space<vmem>>) semaphore(%arg16 : memref<!tpu.dma_semaphore, #tpu.memory_space<semaphore_mem>>)
    %dma_start3A_23 = arith.constant 1 : i32
    %dma_start3A_24 = arith.constant 0 : i32
    %dma_start3A_25 = tpu.memref_slice %arg14[%dma_start3A_23, %dma_start3A_24] : memref<125x80xi32, #tpu.memory_space<vmem>> -> memref<1x80xi32, #tpu.memory_space<vmem>>
    %dma_start3A_26 = tpu.memref_squeeze %dma_start3A_25 : memref<1x80xi32, #tpu.memory_space<vmem>> -> memref<80xi32, #tpu.memory_space<vmem>>
    %dma_start3A_27 = arith.constant 0 : i32
    %dma_start3A_28 = arith.constant 0 : i32
    %dma_start3A_29 = tpu.memref_slice %arg3[%dma_start3A_27, %dma_start3A_28] : memref<320000x128xf32, #tpu.memory_space<hbm>> -> memref<320000x128xf32, #tpu.memory_space<hbm>>
    tpu.enqueue_indirect_dma source(%dma_start3A_29 : memref<320000x128xf32, #tpu.memory_space<hbm>>) target(%arg10 : memref<80x128xf32, #tpu.memory_space<vmem>>) offsets(%dma_start3A_26 : memref<80xi32, #tpu.memory_space<vmem>>) semaphore(%arg16 : memref<!tpu.dma_semaphore, #tpu.memory_space<semaphore_mem>>)
    %scan3A = arith.constant 0 : i32
    %scan3A_30 = arith.constant 0 : i32
    %scan3A_31 = arith.constant 62 : i32
    %scan3A_32 = arith.addi %scan3A_30, %scan3A_31 : i32
    %scan3A_33 = arith.constant 1 : i32
    scf.for %scan3A_78 = %scan3A_30 to %scan3A_32 step %scan3A_33  : i32 {
      %mul3A_79 = arith.constant 2 : i32
      %mul3A_80 = arith.muli %scan3A_78, %mul3A_79 : i32
      %add3A_81 = arith.constant 0 : i32
      %add3A_82 = arith.addi %mul3A_80, %add3A_81 : i32
      %dma_wait3A_83 = arith.constant 0 : i32
      %dma_wait3A_84 = tpu.memref_slice %arg13[%add3A_82, %dma_wait3A_83] : memref<125x80xi32, #tpu.memory_space<vmem>> -> memref<1x80xi32, #tpu.memory_space<vmem>>
      %dma_wait3A_85 = tpu.memref_squeeze %dma_wait3A_84 : memref<1x80xi32, #tpu.memory_space<vmem>> -> memref<80xi32, #tpu.memory_space<vmem>>
      %dma_wait3A_86 = arith.constant 0 : i32
      %dma_wait3A_87 = arith.constant 0 : i32
      %dma_wait3A_88 = tpu.memref_slice %arg2[%dma_wait3A_86, %dma_wait3A_87] : memref<10000x128xf32, #tpu.memory_space<hbm>> -> memref<10000x128xf32, #tpu.memory_space<hbm>>
      tpu.wait_indirect_dma semaphore(%arg15 : memref<!tpu.dma_semaphore, #tpu.memory_space<semaphore_mem>>) src(%dma_wait3A_88 : memref<10000x128xf32, #tpu.memory_space<hbm>>) dst(%arg7 : memref<80x128xf32, #tpu.memory_space<vmem>>)
      %dma_wait3A_89 = arith.constant 0 : i32
      %dma_wait3A_90 = tpu.memref_slice %arg14[%add3A_82, %dma_wait3A_89] : memref<125x80xi32, #tpu.memory_space<vmem>> -> memref<1x80xi32, #tpu.memory_space<vmem>>
      %dma_wait3A_91 = tpu.memref_squeeze %dma_wait3A_90 : memref<1x80xi32, #tpu.memory_space<vmem>> -> memref<80xi32, #tpu.memory_space<vmem>>
      %dma_wait3A_92 = arith.constant 0 : i32
      %dma_wait3A_93 = arith.constant 0 : i32
      %dma_wait3A_94 = tpu.memref_slice %arg3[%dma_wait3A_92, %dma_wait3A_93] : memref<320000x128xf32, #tpu.memory_space<hbm>> -> memref<320000x128xf32, #tpu.memory_space<hbm>>
      tpu.wait_indirect_dma semaphore(%arg15 : memref<!tpu.dma_semaphore, #tpu.memory_space<semaphore_mem>>) src(%dma_wait3A_94 : memref<320000x128xf32, #tpu.memory_space<hbm>>) dst(%arg9 : memref<80x128xf32, #tpu.memory_space<vmem>>)
      %gt3A = arith.constant 1 : i32
      %gt3A_95 = arith.cmpi sgt, %add3A_82, %gt3A : i32
      %convert_element_type3A = arith.extui %gt3A_95 : i1 to i32
      %cond3A = arith.constant 0 : i32
      %cond3A_96 = arith.cmpi ne, %convert_element_type3A, %cond3A : i32
      scf.if %cond3A_96 {
        %sub3A = arith.constant 2 : i32
        %sub3A_155 = arith.subi %add3A_82, %sub3A : i32
        %mul3A_156 = arith.constant 80 : i32
        %mul3A_157 = arith.muli %sub3A_155, %mul3A_156 : i32
        %add3A_158 = arith.addi %mul3A_2, %mul3A_157 : i32
        %dma_wait3A_159 = arith.constant 0 : i32
        %dma_wait3A_160 = tpu.memref_slice %arg6[%add3A_158, %dma_wait3A_159] : memref<320000x128xf32, #tpu.memory_space<hbm>> -> memref<80x128xf32, #tpu.memory_space<hbm>>
        %dma_wait3A_161 = arith.constant 0 : i32
        %dma_wait3A_162 = tpu.memref_slice %arg6[%add3A_158, %dma_wait3A_161] : memref<320000x128xf32, #tpu.memory_space<hbm>> -> memref<80x128xf32, #tpu.memory_space<hbm>>
        tpu.wait_dma2 semaphore(%arg17 : memref<!tpu.dma_semaphore, #tpu.memory_space<semaphore_mem>>) src(%arg11 : memref<80x128xf32, #tpu.memory_space<vmem>>) dst(%dma_wait3A_162 : memref<80x128xf32, #tpu.memory_space<hbm>>)
      } else {
      }
      %scan3A_97 = arith.constant 0 : i32
      %scan3A_98 = arith.constant 0 : i32
      %scan3A_99 = arith.constant 80 : i32
      %scan3A_100 = arith.addi %scan3A_98, %scan3A_99 : i32
      %scan3A_101 = arith.constant 1 : i32
      scf.for %scan3A_155 = %scan3A_98 to %scan3A_100 step %scan3A_101  : i32 {
        %get3A = arith.index_cast %scan3A_155 : i32 to index
        %get3A_156 = arith.constant 0 : index
        %get3A_157 = tpu.vector_load %arg7[%get3A, %get3A_156] {strides = array<i32>} : memref<80x128xf32, #tpu.memory_space<vmem>>, vector<1x16xf32>,
        %get3A_158 = vector.shape_cast %get3A_157 : vector<1x16xf32> to vector<16xf32>
        %get3A_159 = arith.index_cast %scan3A_155 : i32 to index
        %get3A_160 = arith.constant 0 : index
        %get3A_161 = tpu.vector_load %arg9[%get3A_159, %get3A_160] {strides = array<i32>} : memref<80x128xf32, #tpu.memory_space<vmem>>, vector<1x16xf32>,
        %get3A_162 = vector.shape_cast %get3A_161 : vector<1x16xf32> to vector<16xf32>
        %sub3A = arith.subf %get3A_158, %get3A_162 : vector<16xf32>
        %swap3A = arith.index_cast %scan3A_155 : i32 to index
        %swap3A_163 = arith.constant 0 : index
        %swap3A_164 = tpu.vector_load %arg11[%swap3A, %swap3A_163] {strides = array<i32>} : memref<80x128xf32, #tpu.memory_space<vmem>>, vector<1x16xf32>,
        %swap3A_165 = vector.shape_cast %swap3A_164 : vector<1x16xf32> to vector<16xf32>
        %swap3A_166 = vector.shape_cast %sub3A : vector<16xf32> to vector<1x16xf32>
        tpu.vector_store %arg11[%swap3A, %swap3A_163], %swap3A_166 {strides = array<i32>} : memref<80x128xf32, #tpu.memory_space<vmem>>, vector<1x16xf32>,
        %get3A_167 = arith.index_cast %scan3A_155 : i32 to index
        %get3A_168 = arith.constant 16 : index
        %get3A_169 = tpu.vector_load %arg7[%get3A_167, %get3A_168] {strides = array<i32>} : memref<80x128xf32, #tpu.memory_space<vmem>>, vector<1x16xf32>,
        %get3A_170 = vector.shape_cast %get3A_169 : vector<1x16xf32> to vector<16xf32>
        %get3A_171 = arith.index_cast %scan3A_155 : i32 to index
        %get3A_172 = arith.constant 16 : index
        %get3A_173 = tpu.vector_load %arg9[%get3A_171, %get3A_172] {strides = array<i32>} : memref<80x128xf32, #tpu.memory_space<vmem>>, vector<1x16xf32>,
        %get3A_174 = vector.shape_cast %get3A_173 : vector<1x16xf32> to vector<16xf32>
        %sub3A_175 = arith.subf %get3A_170, %get3A_174 : vector<16xf32>
        %swap3A_176 = arith.index_cast %scan3A_155 : i32 to index
        %swap3A_177 = arith.constant 16 : index
        %swap3A_178 = tpu.vector_load %arg11[%swap3A_176, %swap3A_177] {strides = array<i32>} : memref<80x128xf32, #tpu.memory_space<vmem>>, vector<1x16xf32>,
        %swap3A_179 = vector.shape_cast %swap3A_178 : vector<1x16xf32> to vector<16xf32>
        %swap3A_180 = vector.shape_cast %sub3A_175 : vector<16xf32> to vector<1x16xf32>
        tpu.vector_store %arg11[%swap3A_176, %swap3A_177], %swap3A_180 {strides = array<i32>} : memref<80x128xf32, #tpu.memory_space<vmem>>, vector<1x16xf32>,
        %get3A_181 = arith.index_cast %scan3A_155 : i32 to index
        %get3A_182 = arith.constant 32 : index
        %get3A_183 = tpu.vector_load %arg7[%get3A_181, %get3A_182] {strides = array<i32>} : memref<80x128xf32, #tpu.memory_space<vmem>>, vector<1x16xf32>,
        %get3A_184 = vector.shape_cast %get3A_183 : vector<1x16xf32> to vector<16xf32>
        %get3A_185 = arith.index_cast %scan3A_155 : i32 to index
        %get3A_186 = arith.constant 32 : index
        %get3A_187 = tpu.vector_load %arg9[%get3A_185, %get3A_186] {strides = array<i32>} : memref<80x128xf32, #tpu.memory_space<vmem>>, vector<1x16xf32>,
        %get3A_188 = vector.shape_cast %get3A_187 : vector<1x16xf32> to vector<16xf32>
        %sub3A_189 = arith.subf %get3A_184, %get3A_188 : vector<16xf32>
        %swap3A_190 = arith.index_cast %scan3A_155 : i32 to index
        %swap3A_191 = arith.constant 32 : index
        %swap3A_192 = tpu.vector_load %arg11[%swap3A_190, %swap3A_191] {strides = array<i32>} : memref<80x128xf32, #tpu.memory_space<vmem>>, vector<1x16xf32>,
        %swap3A_193 = vector.shape_cast %swap3A_192 : vector<1x16xf32> to vector<16xf32>
        %swap3A_194 = vector.shape_cast %sub3A_189 : vector<16xf32> to vector<1x16xf32>
        tpu.vector_store %arg11[%swap3A_190, %swap3A_191], %swap3A_194 {strides = array<i32>} : memref<80x128xf32, #tpu.memory_space<vmem>>, vector<1x16xf32>,
        %get3A_195 = arith.index_cast %scan3A_155 : i32 to index
        %get3A_196 = arith.constant 48 : index
        %get3A_197 = tpu.vector_load %arg7[%get3A_195, %get3A_196] {strides = array<i32>} : memref<80x128xf32, #tpu.memory_space<vmem>>, vector<1x16xf32>,
        %get3A_198 = vector.shape_cast %get3A_197 : vector<1x16xf32> to vector<16xf32>
        %get3A_199 = arith.index_cast %scan3A_155 : i32 to index
        %get3A_200 = arith.constant 48 : index
        %get3A_201 = tpu.vector_load %arg9[%get3A_199, %get3A_200] {strides = array<i32>} : memref<80x128xf32, #tpu.memory_space<vmem>>, vector<1x16xf32>,
        %get3A_202 = vector.shape_cast %get3A_201 : vector<1x16xf32> to vector<16xf32>
        %sub3A_203 = arith.subf %get3A_198, %get3A_202 : vector<16xf32>
        %swap3A_204 = arith.index_cast %scan3A_155 : i32 to index
        %swap3A_205 = arith.constant 48 : index
        %swap3A_206 = tpu.vector_load %arg11[%swap3A_204, %swap3A_205] {strides = array<i32>} : memref<80x128xf32, #tpu.memory_space<vmem>>, vector<1x16xf32>,
        %swap3A_207 = vector.shape_cast %swap3A_206 : vector<1x16xf32> to vector<16xf32>
        %swap3A_208 = vector.shape_cast %sub3A_203 : vector<16xf32> to vector<1x16xf32>
        tpu.vector_store %arg11[%swap3A_204, %swap3A_205], %swap3A_208 {strides = array<i32>} : memref<80x128xf32, #tpu.memory_space<vmem>>, vector<1x16xf32>,
        %get3A_209 = arith.index_cast %scan3A_155 : i32 to index
        %get3A_210 = arith.constant 64 : index
        %get3A_211 = tpu.vector_load %arg7[%get3A_209, %get3A_210] {strides = array<i32>} : memref<80x128xf32, #tpu.memory_space<vmem>>, vector<1x16xf32>,
        %get3A_212 = vector.shape_cast %get3A_211 : vector<1x16xf32> to vector<16xf32>
        %get3A_213 = arith.index_cast %scan3A_155 : i32 to index
        %get3A_214 = arith.constant 64 : index
        %get3A_215 = tpu.vector_load %arg9[%get3A_213, %get3A_214] {strides = array<i32>} : memref<80x128xf32, #tpu.memory_space<vmem>>, vector<1x16xf32>,
        %get3A_216 = vector.shape_cast %get3A_215 : vector<1x16xf32> to vector<16xf32>
        %sub3A_217 = arith.subf %get3A_212, %get3A_216 : vector<16xf32>
        %swap3A_218 = arith.index_cast %scan3A_155 : i32 to index
        %swap3A_219 = arith.constant 64 : index
        %swap3A_220 = tpu.vector_load %arg11[%swap3A_218, %swap3A_219] {strides = array<i32>} : memref<80x128xf32, #tpu.memory_space<vmem>>, vector<1x16xf32>,
        %swap3A_221 = vector.shape_cast %swap3A_220 : vector<1x16xf32> to vector<16xf32>
        %swap3A_222 = vector.shape_cast %sub3A_217 : vector<16xf32> to vector<1x16xf32>
        tpu.vector_store %arg11[%swap3A_218, %swap3A_219], %swap3A_222 {strides = array<i32>} : memref<80x128xf32, #tpu.memory_space<vmem>>, vector<1x16xf32>,
        %get3A_223 = arith.index_cast %scan3A_155 : i32 to index
        %get3A_224 = arith.constant 80 : index
        %get3A_225 = tpu.vector_load %arg7[%get3A_223, %get3A_224] {strides = array<i32>} : memref<80x128xf32, #tpu.memory_space<vmem>>, vector<1x16xf32>,
        %get3A_226 = vector.shape_cast %get3A_225 : vector<1x16xf32> to vector<16xf32>
        %get3A_227 = arith.index_cast %scan3A_155 : i32 to index
        %get3A_228 = arith.constant 80 : index
        %get3A_229 = tpu.vector_load %arg9[%get3A_227, %get3A_228] {strides = array<i32>} : memref<80x128xf32, #tpu.memory_space<vmem>>, vector<1x16xf32>,
        %get3A_230 = vector.shape_cast %get3A_229 : vector<1x16xf32> to vector<16xf32>
        %sub3A_231 = arith.subf %get3A_226, %get3A_230 : vector<16xf32>
        %swap3A_232 = arith.index_cast %scan3A_155 : i32 to index
        %swap3A_233 = arith.constant 80 : index
        %swap3A_234 = tpu.vector_load %arg11[%swap3A_232, %swap3A_233] {strides = array<i32>} : memref<80x128xf32, #tpu.memory_space<vmem>>, vector<1x16xf32>,
        %swap3A_235 = vector.shape_cast %swap3A_234 : vector<1x16xf32> to vector<16xf32>
        %swap3A_236 = vector.shape_cast %sub3A_231 : vector<16xf32> to vector<1x16xf32>
        tpu.vector_store %arg11[%swap3A_232, %swap3A_233], %swap3A_236 {strides = array<i32>} : memref<80x128xf32, #tpu.memory_space<vmem>>, vector<1x16xf32>,
        %get3A_237 = arith.index_cast %scan3A_155 : i32 to index
        %get3A_238 = arith.constant 96 : index
        %get3A_239 = tpu.vector_load %arg7[%get3A_237, %get3A_238] {strides = array<i32>} : memref<80x128xf32, #tpu.memory_space<vmem>>, vector<1x16xf32>,
        %get3A_240 = vector.shape_cast %get3A_239 : vector<1x16xf32> to vector<16xf32>
        %get3A_241 = arith.index_cast %scan3A_155 : i32 to index
        %get3A_242 = arith.constant 96 : index
        %get3A_243 = tpu.vector_load %arg9[%get3A_241, %get3A_242] {strides = array<i32>} : memref<80x128xf32, #tpu.memory_space<vmem>>, vector<1x16xf32>,
        %get3A_244 = vector.shape_cast %get3A_243 : vector<1x16xf32> to vector<16xf32>
        %sub3A_245 = arith.subf %get3A_240, %get3A_244 : vector<16xf32>
        %swap3A_246 = arith.index_cast %scan3A_155 : i32 to index
        %swap3A_247 = arith.constant 96 : index
        %swap3A_248 = tpu.vector_load %arg11[%swap3A_246, %swap3A_247] {strides = array<i32>} : memref<80x128xf32, #tpu.memory_space<vmem>>, vector<1x16xf32>,
        %swap3A_249 = vector.shape_cast %swap3A_248 : vector<1x16xf32> to vector<16xf32>
        %swap3A_250 = vector.shape_cast %sub3A_245 : vector<16xf32> to vector<1x16xf32>
        tpu.vector_store %arg11[%swap3A_246, %swap3A_247], %swap3A_250 {strides = array<i32>} : memref<80x128xf32, #tpu.memory_space<vmem>>, vector<1x16xf32>,
        %get3A_251 = arith.index_cast %scan3A_155 : i32 to index
        %get3A_252 = arith.constant 112 : index
        %get3A_253 = tpu.vector_load %arg7[%get3A_251, %get3A_252] {strides = array<i32>} : memref<80x128xf32, #tpu.memory_space<vmem>>, vector<1x16xf32>,
        %get3A_254 = vector.shape_cast %get3A_253 : vector<1x16xf32> to vector<16xf32>
        %get3A_255 = arith.index_cast %scan3A_155 : i32 to index
        %get3A_256 = arith.constant 112 : index
        %get3A_257 = tpu.vector_load %arg9[%get3A_255, %get3A_256] {strides = array<i32>} : memref<80x128xf32, #tpu.memory_space<vmem>>, vector<1x16xf32>,
        %get3A_258 = vector.shape_cast %get3A_257 : vector<1x16xf32> to vector<16xf32>
        %sub3A_259 = arith.subf %get3A_254, %get3A_258 : vector<16xf32>
        %swap3A_260 = arith.index_cast %scan3A_155 : i32 to index
        %swap3A_261 = arith.constant 112 : index
        %swap3A_262 = tpu.vector_load %arg11[%swap3A_260, %swap3A_261] {strides = array<i32>} : memref<80x128xf32, #tpu.memory_space<vmem>>, vector<1x16xf32>,
        %swap3A_263 = vector.shape_cast %swap3A_262 : vector<1x16xf32> to vector<16xf32>
        %swap3A_264 = vector.shape_cast %sub3A_259 : vector<16xf32> to vector<1x16xf32>
        tpu.vector_store %arg11[%swap3A_260, %swap3A_261], %swap3A_264 {strides = array<i32>} : memref<80x128xf32, #tpu.memory_space<vmem>>, vector<1x16xf32>,
      }
      %scan3A_102 = arith.constant 80 : i32
      %mul3A_103 = arith.constant 80 : i32
      %mul3A_104 = arith.muli %add3A_82, %mul3A_103 : i32
      %add3A_105 = arith.addi %mul3A_2, %mul3A_104 : i32
      %dma_start3A_106 = arith.constant 0 : i32
      %dma_start3A_107 = tpu.memref_slice %arg6[%add3A_105, %dma_start3A_106] : memref<320000x128xf32, #tpu.memory_space<hbm>> -> memref<80x128xf32, #tpu.memory_space<hbm>>
      %dma_start3A_108 = arith.constant 0 : i32
      %dma_start3A_109 = tpu.memref_slice %arg6[%add3A_105, %dma_start3A_108] : memref<320000x128xf32, #tpu.memory_space<hbm>> -> memref<80x128xf32, #tpu.memory_space<hbm>>
      tpu.enqueue_dma source(%arg11 : memref<80x128xf32, #tpu.memory_space<vmem>>) target(%dma_start3A_109 : memref<80x128xf32, #tpu.memory_space<hbm>>) target_semaphore(%arg17 : memref<!tpu.dma_semaphore, #tpu.memory_space<semaphore_mem>>)
      %add3A_110 = arith.constant 2 : i32
      %add3A_111 = arith.addi %add3A_82, %add3A_110 : i32
      %lt3A = arith.constant 125 : i32
      %lt3A_112 = arith.cmpi slt, %add3A_111, %lt3A : i32
      %convert_element_type3A_113 = arith.extui %lt3A_112 : i1 to i32
      %cond3A_114 = arith.constant 0 : i32
      %cond3A_115 = arith.cmpi ne, %convert_element_type3A_113, %cond3A_114 : i32
      scf.if %cond3A_115 {
        %add3A_155 = arith.constant 2 : i32
        %add3A_156 = arith.addi %add3A_82, %add3A_155 : i32
        %dma_start3A_157 = arith.constant 0 : i32
        %dma_start3A_158 = tpu.memref_slice %arg13[%add3A_156, %dma_start3A_157] : memref<125x80xi32, #tpu.memory_space<vmem>> -> memref<1x80xi32, #tpu.memory_space<vmem>>
        %dma_start3A_159 = tpu.memref_squeeze %dma_start3A_158 : memref<1x80xi32, #tpu.memory_space<vmem>> -> memref<80xi32, #tpu.memory_space<vmem>>
        %dma_start3A_160 = arith.constant 0 : i32
        %dma_start3A_161 = arith.constant 0 : i32
        %dma_start3A_162 = tpu.memref_slice %arg2[%dma_start3A_160, %dma_start3A_161] : memref<10000x128xf32, #tpu.memory_space<hbm>> -> memref<10000x128xf32, #tpu.memory_space<hbm>>
        tpu.enqueue_indirect_dma source(%dma_start3A_162 : memref<10000x128xf32, #tpu.memory_space<hbm>>) target(%arg7 : memref<80x128xf32, #tpu.memory_space<vmem>>) offsets(%dma_start3A_159 : memref<80xi32, #tpu.memory_space<vmem>>) semaphore(%arg15 : memref<!tpu.dma_semaphore, #tpu.memory_space<semaphore_mem>>)
        %dma_start3A_163 = arith.constant 0 : i32
        %dma_start3A_164 = tpu.memref_slice %arg14[%add3A_156, %dma_start3A_163] : memref<125x80xi32, #tpu.memory_space<vmem>> -> memref<1x80xi32, #tpu.memory_space<vmem>>
        %dma_start3A_165 = tpu.memref_squeeze %dma_start3A_164 : memref<1x80xi32, #tpu.memory_space<vmem>> -> memref<80xi32, #tpu.memory_space<vmem>>
        %dma_start3A_166 = arith.constant 0 : i32
        %dma_start3A_167 = arith.constant 0 : i32
        %dma_start3A_168 = tpu.memref_slice %arg3[%dma_start3A_166, %dma_start3A_167] : memref<320000x128xf32, #tpu.memory_space<hbm>> -> memref<320000x128xf32, #tpu.memory_space<hbm>>
        tpu.enqueue_indirect_dma source(%dma_start3A_168 : memref<320000x128xf32, #tpu.memory_space<hbm>>) target(%arg9 : memref<80x128xf32, #tpu.memory_space<vmem>>) offsets(%dma_start3A_165 : memref<80xi32, #tpu.memory_space<vmem>>) semaphore(%arg15 : memref<!tpu.dma_semaphore, #tpu.memory_space<semaphore_mem>>)
      } else {
      }
      %add3A_116 = arith.constant 1 : i32
      %add3A_117 = arith.addi %mul3A_80, %add3A_116 : i32
      %dma_wait3A_118 = arith.constant 0 : i32
      %dma_wait3A_119 = tpu.memref_slice %arg13[%add3A_117, %dma_wait3A_118] : memref<125x80xi32, #tpu.memory_space<vmem>> -> memref<1x80xi32, #tpu.memory_space<vmem>>
      %dma_wait3A_120 = tpu.memref_squeeze %dma_wait3A_119 : memref<1x80xi32, #tpu.memory_space<vmem>> -> memref<80xi32, #tpu.memory_space<vmem>>
      %dma_wait3A_121 = arith.constant 0 : i32
      %dma_wait3A_122 = arith.constant 0 : i32
      %dma_wait3A_123 = tpu.memref_slice %arg2[%dma_wait3A_121, %dma_wait3A_122] : memref<10000x128xf32, #tpu.memory_space<hbm>> -> memref<10000x128xf32, #tpu.memory_space<hbm>>
      tpu.wait_indirect_dma semaphore(%arg16 : memref<!tpu.dma_semaphore, #tpu.memory_space<semaphore_mem>>) src(%dma_wait3A_123 : memref<10000x128xf32, #tpu.memory_space<hbm>>) dst(%arg8 : memref<80x128xf32, #tpu.memory_space<vmem>>)
      %dma_wait3A_124 = arith.constant 0 : i32
      %dma_wait3A_125 = tpu.memref_slice %arg14[%add3A_117, %dma_wait3A_124] : memref<125x80xi32, #tpu.memory_space<vmem>> -> memref<1x80xi32, #tpu.memory_space<vmem>>
      %dma_wait3A_126 = tpu.memref_squeeze %dma_wait3A_125 : memref<1x80xi32, #tpu.memory_space<vmem>> -> memref<80xi32, #tpu.memory_space<vmem>>
      %dma_wait3A_127 = arith.constant 0 : i32
      %dma_wait3A_128 = arith.constant 0 : i32
      %dma_wait3A_129 = tpu.memref_slice %arg3[%dma_wait3A_127, %dma_wait3A_128] : memref<320000x128xf32, #tpu.memory_space<hbm>> -> memref<320000x128xf32, #tpu.memory_space<hbm>>
      tpu.wait_indirect_dma semaphore(%arg16 : memref<!tpu.dma_semaphore, #tpu.memory_space<semaphore_mem>>) src(%dma_wait3A_129 : memref<320000x128xf32, #tpu.memory_space<hbm>>) dst(%arg10 : memref<80x128xf32, #tpu.memory_space<vmem>>)
      %gt3A_130 = arith.constant 1 : i32
      %gt3A_131 = arith.cmpi sgt, %add3A_117, %gt3A_130 : i32
      %convert_element_type3A_132 = arith.extui %gt3A_131 : i1 to i32
      %cond3A_133 = arith.constant 0 : i32
      %cond3A_134 = arith.cmpi ne, %convert_element_type3A_132, %cond3A_133 : i32
      scf.if %cond3A_134 {
        %sub3A = arith.constant 2 : i32
        %sub3A_155 = arith.subi %add3A_117, %sub3A : i32
        %mul3A_156 = arith.constant 80 : i32
        %mul3A_157 = arith.muli %sub3A_155, %mul3A_156 : i32
        %add3A_158 = arith.addi %mul3A_2, %mul3A_157 : i32
        %dma_wait3A_159 = arith.constant 0 : i32
        %dma_wait3A_160 = tpu.memref_slice %arg6[%add3A_158, %dma_wait3A_159] : memref<320000x128xf32, #tpu.memory_space<hbm>> -> memref<80x128xf32, #tpu.memory_space<hbm>>
        %dma_wait3A_161 = arith.constant 0 : i32
        %dma_wait3A_162 = tpu.memref_slice %arg6[%add3A_158, %dma_wait3A_161] : memref<320000x128xf32, #tpu.memory_space<hbm>> -> memref<80x128xf32, #tpu.memory_space<hbm>>
        tpu.wait_dma2 semaphore(%arg18 : memref<!tpu.dma_semaphore, #tpu.memory_space<semaphore_mem>>) src(%arg12 : memref<80x128xf32, #tpu.memory_space<vmem>>) dst(%dma_wait3A_162 : memref<80x128xf32, #tpu.memory_space<hbm>>)
      } else {
      }
      %scan3A_135 = arith.constant 0 : i32
      %scan3A_136 = arith.constant 0 : i32
      %scan3A_137 = arith.constant 80 : i32
      %scan3A_138 = arith.addi %scan3A_136, %scan3A_137 : i32
      %scan3A_139 = arith.constant 1 : i32
      scf.for %scan3A_155 = %scan3A_136 to %scan3A_138 step %scan3A_139  : i32 {
        %get3A = arith.index_cast %scan3A_155 : i32 to index
        %get3A_156 = arith.constant 0 : index
        %get3A_157 = tpu.vector_load %arg8[%get3A, %get3A_156] {strides = array<i32>} : memref<80x128xf32, #tpu.memory_space<vmem>>, vector<1x16xf32>,
        %get3A_158 = vector.shape_cast %get3A_157 : vector<1x16xf32> to vector<16xf32>
        %get3A_159 = arith.index_cast %scan3A_155 : i32 to index
        %get3A_160 = arith.constant 0 : index
        %get3A_161 = tpu.vector_load %arg10[%get3A_159, %get3A_160] {strides = array<i32>} : memref<80x128xf32, #tpu.memory_space<vmem>>, vector<1x16xf32>,
        %get3A_162 = vector.shape_cast %get3A_161 : vector<1x16xf32> to vector<16xf32>
        %sub3A = arith.subf %get3A_158, %get3A_162 : vector<16xf32>
        %swap3A = arith.index_cast %scan3A_155 : i32 to index
        %swap3A_163 = arith.constant 0 : index
        %swap3A_164 = tpu.vector_load %arg12[%swap3A, %swap3A_163] {strides = array<i32>} : memref<80x128xf32, #tpu.memory_space<vmem>>, vector<1x16xf32>,
        %swap3A_165 = vector.shape_cast %swap3A_164 : vector<1x16xf32> to vector<16xf32>
        %swap3A_166 = vector.shape_cast %sub3A : vector<16xf32> to vector<1x16xf32>
        tpu.vector_store %arg12[%swap3A, %swap3A_163], %swap3A_166 {strides = array<i32>} : memref<80x128xf32, #tpu.memory_space<vmem>>, vector<1x16xf32>,
        %get3A_167 = arith.index_cast %scan3A_155 : i32 to index
        %get3A_168 = arith.constant 16 : index
        %get3A_169 = tpu.vector_load %arg8[%get3A_167, %get3A_168] {strides = array<i32>} : memref<80x128xf32, #tpu.memory_space<vmem>>, vector<1x16xf32>,
        %get3A_170 = vector.shape_cast %get3A_169 : vector<1x16xf32> to vector<16xf32>
        %get3A_171 = arith.index_cast %scan3A_155 : i32 to index
        %get3A_172 = arith.constant 16 : index
        %get3A_173 = tpu.vector_load %arg10[%get3A_171, %get3A_172] {strides = array<i32>} : memref<80x128xf32, #tpu.memory_space<vmem>>, vector<1x16xf32>,
        %get3A_174 = vector.shape_cast %get3A_173 : vector<1x16xf32> to vector<16xf32>
        %sub3A_175 = arith.subf %get3A_170, %get3A_174 : vector<16xf32>
        %swap3A_176 = arith.index_cast %scan3A_155 : i32 to index
        %swap3A_177 = arith.constant 16 : index
        %swap3A_178 = tpu.vector_load %arg12[%swap3A_176, %swap3A_177] {strides = array<i32>} : memref<80x128xf32, #tpu.memory_space<vmem>>, vector<1x16xf32>,
        %swap3A_179 = vector.shape_cast %swap3A_178 : vector<1x16xf32> to vector<16xf32>
        %swap3A_180 = vector.shape_cast %sub3A_175 : vector<16xf32> to vector<1x16xf32>
        tpu.vector_store %arg12[%swap3A_176, %swap3A_177], %swap3A_180 {strides = array<i32>} : memref<80x128xf32, #tpu.memory_space<vmem>>, vector<1x16xf32>,
        %get3A_181 = arith.index_cast %scan3A_155 : i32 to index
        %get3A_182 = arith.constant 32 : index
        %get3A_183 = tpu.vector_load %arg8[%get3A_181, %get3A_182] {strides = array<i32>} : memref<80x128xf32, #tpu.memory_space<vmem>>, vector<1x16xf32>,
        %get3A_184 = vector.shape_cast %get3A_183 : vector<1x16xf32> to vector<16xf32>
        %get3A_185 = arith.index_cast %scan3A_155 : i32 to index
        %get3A_186 = arith.constant 32 : index
        %get3A_187 = tpu.vector_load %arg10[%get3A_185, %get3A_186] {strides = array<i32>} : memref<80x128xf32, #tpu.memory_space<vmem>>, vector<1x16xf32>,
        %get3A_188 = vector.shape_cast %get3A_187 : vector<1x16xf32> to vector<16xf32>
        %sub3A_189 = arith.subf %get3A_184, %get3A_188 : vector<16xf32>
        %swap3A_190 = arith.index_cast %scan3A_155 : i32 to index
        %swap3A_191 = arith.constant 32 : index
        %swap3A_192 = tpu.vector_load %arg12[%swap3A_190, %swap3A_191] {strides = array<i32>} : memref<80x128xf32, #tpu.memory_space<vmem>>, vector<1x16xf32>,
        %swap3A_193 = vector.shape_cast %swap3A_192 : vector<1x16xf32> to vector<16xf32>
        %swap3A_194 = vector.shape_cast %sub3A_189 : vector<16xf32> to vector<1x16xf32>
        tpu.vector_store %arg12[%swap3A_190, %swap3A_191], %swap3A_194 {strides = array<i32>} : memref<80x128xf32, #tpu.memory_space<vmem>>, vector<1x16xf32>,
        %get3A_195 = arith.index_cast %scan3A_155 : i32 to index
        %get3A_196 = arith.constant 48 : index
        %get3A_197 = tpu.vector_load %arg8[%get3A_195, %get3A_196] {strides = array<i32>} : memref<80x128xf32, #tpu.memory_space<vmem>>, vector<1x16xf32>,
        %get3A_198 = vector.shape_cast %get3A_197 : vector<1x16xf32> to vector<16xf32>
        %get3A_199 = arith.index_cast %scan3A_155 : i32 to index
        %get3A_200 = arith.constant 48 : index
        %get3A_201 = tpu.vector_load %arg10[%get3A_199, %get3A_200] {strides = array<i32>} : memref<80x128xf32, #tpu.memory_space<vmem>>, vector<1x16xf32>,
        %get3A_202 = vector.shape_cast %get3A_201 : vector<1x16xf32> to vector<16xf32>
        %sub3A_203 = arith.subf %get3A_198, %get3A_202 : vector<16xf32>
        %swap3A_204 = arith.index_cast %scan3A_155 : i32 to index
        %swap3A_205 = arith.constant 48 : index
        %swap3A_206 = tpu.vector_load %arg12[%swap3A_204, %swap3A_205] {strides = array<i32>} : memref<80x128xf32, #tpu.memory_space<vmem>>, vector<1x16xf32>,
        %swap3A_207 = vector.shape_cast %swap3A_206 : vector<1x16xf32> to vector<16xf32>
        %swap3A_208 = vector.shape_cast %sub3A_203 : vector<16xf32> to vector<1x16xf32>
        tpu.vector_store %arg12[%swap3A_204, %swap3A_205], %swap3A_208 {strides = array<i32>} : memref<80x128xf32, #tpu.memory_space<vmem>>, vector<1x16xf32>,
        %get3A_209 = arith.index_cast %scan3A_155 : i32 to index
        %get3A_210 = arith.constant 64 : index
        %get3A_211 = tpu.vector_load %arg8[%get3A_209, %get3A_210] {strides = array<i32>} : memref<80x128xf32, #tpu.memory_space<vmem>>, vector<1x16xf32>,
        %get3A_212 = vector.shape_cast %get3A_211 : vector<1x16xf32> to vector<16xf32>
        %get3A_213 = arith.index_cast %scan3A_155 : i32 to index
        %get3A_214 = arith.constant 64 : index
        %get3A_215 = tpu.vector_load %arg10[%get3A_213, %get3A_214] {strides = array<i32>} : memref<80x128xf32, #tpu.memory_space<vmem>>, vector<1x16xf32>,
        %get3A_216 = vector.shape_cast %get3A_215 : vector<1x16xf32> to vector<16xf32>
        %sub3A_217 = arith.subf %get3A_212, %get3A_216 : vector<16xf32>
        %swap3A_218 = arith.index_cast %scan3A_155 : i32 to index
        %swap3A_219 = arith.constant 64 : index
        %swap3A_220 = tpu.vector_load %arg12[%swap3A_218, %swap3A_219] {strides = array<i32>} : memref<80x128xf32, #tpu.memory_space<vmem>>, vector<1x16xf32>,
        %swap3A_221 = vector.shape_cast %swap3A_220 : vector<1x16xf32> to vector<16xf32>
        %swap3A_222 = vector.shape_cast %sub3A_217 : vector<16xf32> to vector<1x16xf32>
        tpu.vector_store %arg12[%swap3A_218, %swap3A_219], %swap3A_222 {strides = array<i32>} : memref<80x128xf32, #tpu.memory_space<vmem>>, vector<1x16xf32>,
        %get3A_223 = arith.index_cast %scan3A_155 : i32 to index
        %get3A_224 = arith.constant 80 : index
        %get3A_225 = tpu.vector_load %arg8[%get3A_223, %get3A_224] {strides = array<i32>} : memref<80x128xf32, #tpu.memory_space<vmem>>, vector<1x16xf32>,
        %get3A_226 = vector.shape_cast %get3A_225 : vector<1x16xf32> to vector<16xf32>
        %get3A_227 = arith.index_cast %scan3A_155 : i32 to index
        %get3A_228 = arith.constant 80 : index
        %get3A_229 = tpu.vector_load %arg10[%get3A_227, %get3A_228] {strides = array<i32>} : memref<80x128xf32, #tpu.memory_space<vmem>>, vector<1x16xf32>,
        %get3A_230 = vector.shape_cast %get3A_229 : vector<1x16xf32> to vector<16xf32>
        %sub3A_231 = arith.subf %get3A_226, %get3A_230 : vector<16xf32>
        %swap3A_232 = arith.index_cast %scan3A_155 : i32 to index
        %swap3A_233 = arith.constant 80 : index
        %swap3A_234 = tpu.vector_load %arg12[%swap3A_232, %swap3A_233] {strides = array<i32>} : memref<80x128xf32, #tpu.memory_space<vmem>>, vector<1x16xf32>,
        %swap3A_235 = vector.shape_cast %swap3A_234 : vector<1x16xf32> to vector<16xf32>
        %swap3A_236 = vector.shape_cast %sub3A_231 : vector<16xf32> to vector<1x16xf32>
        tpu.vector_store %arg12[%swap3A_232, %swap3A_233], %swap3A_236 {strides = array<i32>} : memref<80x128xf32, #tpu.memory_space<vmem>>, vector<1x16xf32>,
        %get3A_237 = arith.index_cast %scan3A_155 : i32 to index
        %get3A_238 = arith.constant 96 : index
        %get3A_239 = tpu.vector_load %arg8[%get3A_237, %get3A_238] {strides = array<i32>} : memref<80x128xf32, #tpu.memory_space<vmem>>, vector<1x16xf32>,
        %get3A_240 = vector.shape_cast %get3A_239 : vector<1x16xf32> to vector<16xf32>
        %get3A_241 = arith.index_cast %scan3A_155 : i32 to index
        %get3A_242 = arith.constant 96 : index
        %get3A_243 = tpu.vector_load %arg10[%get3A_241, %get3A_242] {strides = array<i32>} : memref<80x128xf32, #tpu.memory_space<vmem>>, vector<1x16xf32>,
        %get3A_244 = vector.shape_cast %get3A_243 : vector<1x16xf32> to vector<16xf32>
        %sub3A_245 = arith.subf %get3A_240, %get3A_244 : vector<16xf32>
        %swap3A_246 = arith.index_cast %scan3A_155 : i32 to index
        %swap3A_247 = arith.constant 96 : index
        %swap3A_248 = tpu.vector_load %arg12[%swap3A_246, %swap3A_247] {strides = array<i32>} : memref<80x128xf32, #tpu.memory_space<vmem>>, vector<1x16xf32>,
        %swap3A_249 = vector.shape_cast %swap3A_248 : vector<1x16xf32> to vector<16xf32>
        %swap3A_250 = vector.shape_cast %sub3A_245 : vector<16xf32> to vector<1x16xf32>
        tpu.vector_store %arg12[%swap3A_246, %swap3A_247], %swap3A_250 {strides = array<i32>} : memref<80x128xf32, #tpu.memory_space<vmem>>, vector<1x16xf32>,
        %get3A_251 = arith.index_cast %scan3A_155 : i32 to index
        %get3A_252 = arith.constant 112 : index
        %get3A_253 = tpu.vector_load %arg8[%get3A_251, %get3A_252] {strides = array<i32>} : memref<80x128xf32, #tpu.memory_space<vmem>>, vector<1x16xf32>,
        %get3A_254 = vector.shape_cast %get3A_253 : vector<1x16xf32> to vector<16xf32>
        %get3A_255 = arith.index_cast %scan3A_155 : i32 to index
        %get3A_256 = arith.constant 112 : index
        %get3A_257 = tpu.vector_load %arg10[%get3A_255, %get3A_256] {strides = array<i32>} : memref<80x128xf32, #tpu.memory_space<vmem>>, vector<1x16xf32>,
        %get3A_258 = vector.shape_cast %get3A_257 : vector<1x16xf32> to vector<16xf32>
        %sub3A_259 = arith.subf %get3A_254, %get3A_258 : vector<16xf32>
        %swap3A_260 = arith.index_cast %scan3A_155 : i32 to index
        %swap3A_261 = arith.constant 112 : index
        %swap3A_262 = tpu.vector_load %arg12[%swap3A_260, %swap3A_261] {strides = array<i32>} : memref<80x128xf32, #tpu.memory_space<vmem>>, vector<1x16xf32>,
        %swap3A_263 = vector.shape_cast %swap3A_262 : vector<1x16xf32> to vector<16xf32>
        %swap3A_264 = vector.shape_cast %sub3A_259 : vector<16xf32> to vector<1x16xf32>
        tpu.vector_store %arg12[%swap3A_260, %swap3A_261], %swap3A_264 {strides = array<i32>} : memref<80x128xf32, #tpu.memory_space<vmem>>, vector<1x16xf32>,
      }
      %scan3A_140 = arith.constant 80 : i32
      %mul3A_141 = arith.constant 80 : i32
      %mul3A_142 = arith.muli %add3A_117, %mul3A_141 : i32
      %add3A_143 = arith.addi %mul3A_2, %mul3A_142 : i32
      %dma_start3A_144 = arith.constant 0 : i32
      %dma_start3A_145 = tpu.memref_slice %arg6[%add3A_143, %dma_start3A_144] : memref<320000x128xf32, #tpu.memory_space<hbm>> -> memref<80x128xf32, #tpu.memory_space<hbm>>
      %dma_start3A_146 = arith.constant 0 : i32
      %dma_start3A_147 = tpu.memref_slice %arg6[%add3A_143, %dma_start3A_146] : memref<320000x128xf32, #tpu.memory_space<hbm>> -> memref<80x128xf32, #tpu.memory_space<hbm>>
      tpu.enqueue_dma source(%arg12 : memref<80x128xf32, #tpu.memory_space<vmem>>) target(%dma_start3A_147 : memref<80x128xf32, #tpu.memory_space<hbm>>) target_semaphore(%arg18 : memref<!tpu.dma_semaphore, #tpu.memory_space<semaphore_mem>>)
      %add3A_148 = arith.constant 2 : i32
      %add3A_149 = arith.addi %add3A_117, %add3A_148 : i32
      %lt3A_150 = arith.constant 125 : i32
      %lt3A_151 = arith.cmpi slt, %add3A_149, %lt3A_150 : i32
      %convert_element_type3A_152 = arith.extui %lt3A_151 : i1 to i32
      %cond3A_153 = arith.constant 0 : i32
      %cond3A_154 = arith.cmpi ne, %convert_element_type3A_152, %cond3A_153 : i32
      scf.if %cond3A_154 {
        %add3A_155 = arith.constant 2 : i32
        %add3A_156 = arith.addi %add3A_117, %add3A_155 : i32
        %dma_start3A_157 = arith.constant 0 : i32
        %dma_start3A_158 = tpu.memref_slice %arg13[%add3A_156, %dma_start3A_157] : memref<125x80xi32, #tpu.memory_space<vmem>> -> memref<1x80xi32, #tpu.memory_space<vmem>>
        %dma_start3A_159 = tpu.memref_squeeze %dma_start3A_158 : memref<1x80xi32, #tpu.memory_space<vmem>> -> memref<80xi32, #tpu.memory_space<vmem>>
        %dma_start3A_160 = arith.constant 0 : i32
        %dma_start3A_161 = arith.constant 0 : i32
        %dma_start3A_162 = tpu.memref_slice %arg2[%dma_start3A_160, %dma_start3A_161] : memref<10000x128xf32, #tpu.memory_space<hbm>> -> memref<10000x128xf32, #tpu.memory_space<hbm>>
        tpu.enqueue_indirect_dma source(%dma_start3A_162 : memref<10000x128xf32, #tpu.memory_space<hbm>>) target(%arg8 : memref<80x128xf32, #tpu.memory_space<vmem>>) offsets(%dma_start3A_159 : memref<80xi32, #tpu.memory_space<vmem>>) semaphore(%arg16 : memref<!tpu.dma_semaphore, #tpu.memory_space<semaphore_mem>>)
        %dma_start3A_163 = arith.constant 0 : i32
        %dma_start3A_164 = tpu.memref_slice %arg14[%add3A_156, %dma_start3A_163] : memref<125x80xi32, #tpu.memory_space<vmem>> -> memref<1x80xi32, #tpu.memory_space<vmem>>
        %dma_start3A_165 = tpu.memref_squeeze %dma_start3A_164 : memref<1x80xi32, #tpu.memory_space<vmem>> -> memref<80xi32, #tpu.memory_space<vmem>>
        %dma_start3A_166 = arith.constant 0 : i32
        %dma_start3A_167 = arith.constant 0 : i32
        %dma_start3A_168 = tpu.memref_slice %arg3[%dma_start3A_166, %dma_start3A_167] : memref<320000x128xf32, #tpu.memory_space<hbm>> -> memref<320000x128xf32, #tpu.memory_space<hbm>>
        tpu.enqueue_indirect_dma source(%dma_start3A_168 : memref<320000x128xf32, #tpu.memory_space<hbm>>) target(%arg10 : memref<80x128xf32, #tpu.memory_space<vmem>>) offsets(%dma_start3A_165 : memref<80xi32, #tpu.memory_space<vmem>>) semaphore(%arg16 : memref<!tpu.dma_semaphore, #tpu.memory_space<semaphore_mem>>)
      } else {
      }
    }
    %scan3A_34 = arith.constant 62 : i32
    %dma_wait3A = arith.constant 124 : i32
    %dma_wait3A_35 = arith.constant 0 : i32
    %dma_wait3A_36 = tpu.memref_slice %arg13[%dma_wait3A, %dma_wait3A_35] : memref<125x80xi32, #tpu.memory_space<vmem>> -> memref<1x80xi32, #tpu.memory_space<vmem>>
    %dma_wait3A_37 = tpu.memref_squeeze %dma_wait3A_36 : memref<1x80xi32, #tpu.memory_space<vmem>> -> memref<80xi32, #tpu.memory_space<vmem>>
    %dma_wait3A_38 = arith.constant 0 : i32
    %dma_wait3A_39 = arith.constant 0 : i32
    %dma_wait3A_40 = tpu.memref_slice %arg2[%dma_wait3A_38, %dma_wait3A_39] : memref<10000x128xf32, #tpu.memory_space<hbm>> -> memref<10000x128xf32, #tpu.memory_space<hbm>>
    tpu.wait_indirect_dma semaphore(%arg15 : memref<!tpu.dma_semaphore, #tpu.memory_space<semaphore_mem>>) src(%dma_wait3A_40 : memref<10000x128xf32, #tpu.memory_space<hbm>>) dst(%arg7 : memref<80x128xf32, #tpu.memory_space<vmem>>)
    %dma_wait3A_41 = arith.constant 124 : i32
    %dma_wait3A_42 = arith.constant 0 : i32
    %dma_wait3A_43 = tpu.memref_slice %arg14[%dma_wait3A_41, %dma_wait3A_42] : memref<125x80xi32, #tpu.memory_space<vmem>> -> memref<1x80xi32, #tpu.memory_space<vmem>>
    %dma_wait3A_44 = tpu.memref_squeeze %dma_wait3A_43 : memref<1x80xi32, #tpu.memory_space<vmem>> -> memref<80xi32, #tpu.memory_space<vmem>>
    %dma_wait3A_45 = arith.constant 0 : i32
    %dma_wait3A_46 = arith.constant 0 : i32
    %dma_wait3A_47 = tpu.memref_slice %arg3[%dma_wait3A_45, %dma_wait3A_46] : memref<320000x128xf32, #tpu.memory_space<hbm>> -> memref<320000x128xf32, #tpu.memory_space<hbm>>
    tpu.wait_indirect_dma semaphore(%arg15 : memref<!tpu.dma_semaphore, #tpu.memory_space<semaphore_mem>>) src(%dma_wait3A_47 : memref<320000x128xf32, #tpu.memory_space<hbm>>) dst(%arg9 : memref<80x128xf32, #tpu.memory_space<vmem>>)
    %add3A_48 = arith.constant 9760 : i32
    %add3A_49 = arith.addi %mul3A_2, %add3A_48 : i32
    %dma_wait3A_50 = arith.constant 0 : i32
    %dma_wait3A_51 = tpu.memref_slice %arg6[%add3A_49, %dma_wait3A_50] : memref<320000x128xf32, #tpu.memory_space<hbm>> -> memref<80x128xf32, #tpu.memory_space<hbm>>
    %dma_wait3A_52 = arith.constant 0 : i32
    %dma_wait3A_53 = tpu.memref_slice %arg6[%add3A_49, %dma_wait3A_52] : memref<320000x128xf32, #tpu.memory_space<hbm>> -> memref<80x128xf32, #tpu.memory_space<hbm>>
    tpu.wait_dma2 semaphore(%arg17 : memref<!tpu.dma_semaphore, #tpu.memory_space<semaphore_mem>>) src(%arg11 : memref<80x128xf32, #tpu.memory_space<vmem>>) dst(%dma_wait3A_53 : memref<80x128xf32, #tpu.memory_space<hbm>>)
    %scan3A_54 = arith.constant 0 : i32
    %scan3A_55 = arith.constant 0 : i32
    %scan3A_56 = arith.constant 80 : i32
    %scan3A_57 = arith.addi %scan3A_55, %scan3A_56 : i32
    %scan3A_58 = arith.constant 1 : i32
    scf.for %scan3A_78 = %scan3A_55 to %scan3A_57 step %scan3A_58  : i32 {
      %get3A = arith.index_cast %scan3A_78 : i32 to index
      %get3A_79 = arith.constant 0 : index
      %get3A_80 = tpu.vector_load %arg7[%get3A, %get3A_79] {strides = array<i32>} : memref<80x128xf32, #tpu.memory_space<vmem>>, vector<1x16xf32>,
      %get3A_81 = vector.shape_cast %get3A_80 : vector<1x16xf32> to vector<16xf32>
      %get3A_82 = arith.index_cast %scan3A_78 : i32 to index
      %get3A_83 = arith.constant 0 : index
      %get3A_84 = tpu.vector_load %arg9[%get3A_82, %get3A_83] {strides = array<i32>} : memref<80x128xf32, #tpu.memory_space<vmem>>, vector<1x16xf32>,
      %get3A_85 = vector.shape_cast %get3A_84 : vector<1x16xf32> to vector<16xf32>
      %sub3A = arith.subf %get3A_81, %get3A_85 : vector<16xf32>
      %swap3A = arith.index_cast %scan3A_78 : i32 to index
      %swap3A_86 = arith.constant 0 : index
      %swap3A_87 = tpu.vector_load %arg11[%swap3A, %swap3A_86] {strides = array<i32>} : memref<80x128xf32, #tpu.memory_space<vmem>>, vector<1x16xf32>,
      %swap3A_88 = vector.shape_cast %swap3A_87 : vector<1x16xf32> to vector<16xf32>
      %swap3A_89 = vector.shape_cast %sub3A : vector<16xf32> to vector<1x16xf32>
      tpu.vector_store %arg11[%swap3A, %swap3A_86], %swap3A_89 {strides = array<i32>} : memref<80x128xf32, #tpu.memory_space<vmem>>, vector<1x16xf32>,
      %get3A_90 = arith.index_cast %scan3A_78 : i32 to index
      %get3A_91 = arith.constant 16 : index
      %get3A_92 = tpu.vector_load %arg7[%get3A_90, %get3A_91] {strides = array<i32>} : memref<80x128xf32, #tpu.memory_space<vmem>>, vector<1x16xf32>,
      %get3A_93 = vector.shape_cast %get3A_92 : vector<1x16xf32> to vector<16xf32>
      %get3A_94 = arith.index_cast %scan3A_78 : i32 to index
      %get3A_95 = arith.constant 16 : index
      %get3A_96 = tpu.vector_load %arg9[%get3A_94, %get3A_95] {strides = array<i32>} : memref<80x128xf32, #tpu.memory_space<vmem>>, vector<1x16xf32>,
      %get3A_97 = vector.shape_cast %get3A_96 : vector<1x16xf32> to vector<16xf32>
      %sub3A_98 = arith.subf %get3A_93, %get3A_97 : vector<16xf32>
      %swap3A_99 = arith.index_cast %scan3A_78 : i32 to index
      %swap3A_100 = arith.constant 16 : index
      %swap3A_101 = tpu.vector_load %arg11[%swap3A_99, %swap3A_100] {strides = array<i32>} : memref<80x128xf32, #tpu.memory_space<vmem>>, vector<1x16xf32>,
      %swap3A_102 = vector.shape_cast %swap3A_101 : vector<1x16xf32> to vector<16xf32>
      %swap3A_103 = vector.shape_cast %sub3A_98 : vector<16xf32> to vector<1x16xf32>
      tpu.vector_store %arg11[%swap3A_99, %swap3A_100], %swap3A_103 {strides = array<i32>} : memref<80x128xf32, #tpu.memory_space<vmem>>, vector<1x16xf32>,
      %get3A_104 = arith.index_cast %scan3A_78 : i32 to index
      %get3A_105 = arith.constant 32 : index
      %get3A_106 = tpu.vector_load %arg7[%get3A_104, %get3A_105] {strides = array<i32>} : memref<80x128xf32, #tpu.memory_space<vmem>>, vector<1x16xf32>,
      %get3A_107 = vector.shape_cast %get3A_106 : vector<1x16xf32> to vector<16xf32>
      %get3A_108 = arith.index_cast %scan3A_78 : i32 to index
      %get3A_109 = arith.constant 32 : index
      %get3A_110 = tpu.vector_load %arg9[%get3A_108, %get3A_109] {strides = array<i32>} : memref<80x128xf32, #tpu.memory_space<vmem>>, vector<1x16xf32>,
      %get3A_111 = vector.shape_cast %get3A_110 : vector<1x16xf32> to vector<16xf32>
      %sub3A_112 = arith.subf %get3A_107, %get3A_111 : vector<16xf32>
      %swap3A_113 = arith.index_cast %scan3A_78 : i32 to index
      %swap3A_114 = arith.constant 32 : index
      %swap3A_115 = tpu.vector_load %arg11[%swap3A_113, %swap3A_114] {strides = array<i32>} : memref<80x128xf32, #tpu.memory_space<vmem>>, vector<1x16xf32>,
      %swap3A_116 = vector.shape_cast %swap3A_115 : vector<1x16xf32> to vector<16xf32>
      %swap3A_117 = vector.shape_cast %sub3A_112 : vector<16xf32> to vector<1x16xf32>
      tpu.vector_store %arg11[%swap3A_113, %swap3A_114], %swap3A_117 {strides = array<i32>} : memref<80x128xf32, #tpu.memory_space<vmem>>, vector<1x16xf32>,
      %get3A_118 = arith.index_cast %scan3A_78 : i32 to index
      %get3A_119 = arith.constant 48 : index
      %get3A_120 = tpu.vector_load %arg7[%get3A_118, %get3A_119] {strides = array<i32>} : memref<80x128xf32, #tpu.memory_space<vmem>>, vector<1x16xf32>,
      %get3A_121 = vector.shape_cast %get3A_120 : vector<1x16xf32> to vector<16xf32>
      %get3A_122 = arith.index_cast %scan3A_78 : i32 to index
      %get3A_123 = arith.constant 48 : index
      %get3A_124 = tpu.vector_load %arg9[%get3A_122, %get3A_123] {strides = array<i32>} : memref<80x128xf32, #tpu.memory_space<vmem>>, vector<1x16xf32>,
      %get3A_125 = vector.shape_cast %get3A_124 : vector<1x16xf32> to vector<16xf32>
      %sub3A_126 = arith.subf %get3A_121, %get3A_125 : vector<16xf32>
      %swap3A_127 = arith.index_cast %scan3A_78 : i32 to index
      %swap3A_128 = arith.constant 48 : index
      %swap3A_129 = tpu.vector_load %arg11[%swap3A_127, %swap3A_128] {strides = array<i32>} : memref<80x128xf32, #tpu.memory_space<vmem>>, vector<1x16xf32>,
      %swap3A_130 = vector.shape_cast %swap3A_129 : vector<1x16xf32> to vector<16xf32>
      %swap3A_131 = vector.shape_cast %sub3A_126 : vector<16xf32> to vector<1x16xf32>
      tpu.vector_store %arg11[%swap3A_127, %swap3A_128], %swap3A_131 {strides = array<i32>} : memref<80x128xf32, #tpu.memory_space<vmem>>, vector<1x16xf32>,
      %get3A_132 = arith.index_cast %scan3A_78 : i32 to index
      %get3A_133 = arith.constant 64 : index
      %get3A_134 = tpu.vector_load %arg7[%get3A_132, %get3A_133] {strides = array<i32>} : memref<80x128xf32, #tpu.memory_space<vmem>>, vector<1x16xf32>,
      %get3A_135 = vector.shape_cast %get3A_134 : vector<1x16xf32> to vector<16xf32>
      %get3A_136 = arith.index_cast %scan3A_78 : i32 to index
      %get3A_137 = arith.constant 64 : index
      %get3A_138 = tpu.vector_load %arg9[%get3A_136, %get3A_137] {strides = array<i32>} : memref<80x128xf32, #tpu.memory_space<vmem>>, vector<1x16xf32>,
      %get3A_139 = vector.shape_cast %get3A_138 : vector<1x16xf32> to vector<16xf32>
      %sub3A_140 = arith.subf %get3A_135, %get3A_139 : vector<16xf32>
      %swap3A_141 = arith.index_cast %scan3A_78 : i32 to index
      %swap3A_142 = arith.constant 64 : index
      %swap3A_143 = tpu.vector_load %arg11[%swap3A_141, %swap3A_142] {strides = array<i32>} : memref<80x128xf32, #tpu.memory_space<vmem>>, vector<1x16xf32>,
      %swap3A_144 = vector.shape_cast %swap3A_143 : vector<1x16xf32> to vector<16xf32>
      %swap3A_145 = vector.shape_cast %sub3A_140 : vector<16xf32> to vector<1x16xf32>
      tpu.vector_store %arg11[%swap3A_141, %swap3A_142], %swap3A_145 {strides = array<i32>} : memref<80x128xf32, #tpu.memory_space<vmem>>, vector<1x16xf32>,
      %get3A_146 = arith.index_cast %scan3A_78 : i32 to index
      %get3A_147 = arith.constant 80 : index
      %get3A_148 = tpu.vector_load %arg7[%get3A_146, %get3A_147] {strides = array<i32>} : memref<80x128xf32, #tpu.memory_space<vmem>>, vector<1x16xf32>,
      %get3A_149 = vector.shape_cast %get3A_148 : vector<1x16xf32> to vector<16xf32>
      %get3A_150 = arith.index_cast %scan3A_78 : i32 to index
      %get3A_151 = arith.constant 80 : index
      %get3A_152 = tpu.vector_load %arg9[%get3A_150, %get3A_151] {strides = array<i32>} : memref<80x128xf32, #tpu.memory_space<vmem>>, vector<1x16xf32>,
      %get3A_153 = vector.shape_cast %get3A_152 : vector<1x16xf32> to vector<16xf32>
      %sub3A_154 = arith.subf %get3A_149, %get3A_153 : vector<16xf32>
      %swap3A_155 = arith.index_cast %scan3A_78 : i32 to index
      %swap3A_156 = arith.constant 80 : index
      %swap3A_157 = tpu.vector_load %arg11[%swap3A_155, %swap3A_156] {strides = array<i32>} : memref<80x128xf32, #tpu.memory_space<vmem>>, vector<1x16xf32>,
      %swap3A_158 = vector.shape_cast %swap3A_157 : vector<1x16xf32> to vector<16xf32>
      %swap3A_159 = vector.shape_cast %sub3A_154 : vector<16xf32> to vector<1x16xf32>
      tpu.vector_store %arg11[%swap3A_155, %swap3A_156], %swap3A_159 {strides = array<i32>} : memref<80x128xf32, #tpu.memory_space<vmem>>, vector<1x16xf32>,
      %get3A_160 = arith.index_cast %scan3A_78 : i32 to index
      %get3A_161 = arith.constant 96 : index
      %get3A_162 = tpu.vector_load %arg7[%get3A_160, %get3A_161] {strides = array<i32>} : memref<80x128xf32, #tpu.memory_space<vmem>>, vector<1x16xf32>,
      %get3A_163 = vector.shape_cast %get3A_162 : vector<1x16xf32> to vector<16xf32>
      %get3A_164 = arith.index_cast %scan3A_78 : i32 to index
      %get3A_165 = arith.constant 96 : index
      %get3A_166 = tpu.vector_load %arg9[%get3A_164, %get3A_165] {strides = array<i32>} : memref<80x128xf32, #tpu.memory_space<vmem>>, vector<1x16xf32>,
      %get3A_167 = vector.shape_cast %get3A_166 : vector<1x16xf32> to vector<16xf32>
      %sub3A_168 = arith.subf %get3A_163, %get3A_167 : vector<16xf32>
      %swap3A_169 = arith.index_cast %scan3A_78 : i32 to index
      %swap3A_170 = arith.constant 96 : index
      %swap3A_171 = tpu.vector_load %arg11[%swap3A_169, %swap3A_170] {strides = array<i32>} : memref<80x128xf32, #tpu.memory_space<vmem>>, vector<1x16xf32>,
      %swap3A_172 = vector.shape_cast %swap3A_171 : vector<1x16xf32> to vector<16xf32>
      %swap3A_173 = vector.shape_cast %sub3A_168 : vector<16xf32> to vector<1x16xf32>
      tpu.vector_store %arg11[%swap3A_169, %swap3A_170], %swap3A_173 {strides = array<i32>} : memref<80x128xf32, #tpu.memory_space<vmem>>, vector<1x16xf32>,
      %get3A_174 = arith.index_cast %scan3A_78 : i32 to index
      %get3A_175 = arith.constant 112 : index
      %get3A_176 = tpu.vector_load %arg7[%get3A_174, %get3A_175] {strides = array<i32>} : memref<80x128xf32, #tpu.memory_space<vmem>>, vector<1x16xf32>,
      %get3A_177 = vector.shape_cast %get3A_176 : vector<1x16xf32> to vector<16xf32>
      %get3A_178 = arith.index_cast %scan3A_78 : i32 to index
      %get3A_179 = arith.constant 112 : index
      %get3A_180 = tpu.vector_load %arg9[%get3A_178, %get3A_179] {strides = array<i32>} : memref<80x128xf32, #tpu.memory_space<vmem>>, vector<1x16xf32>,
      %get3A_181 = vector.shape_cast %get3A_180 : vector<1x16xf32> to vector<16xf32>
      %sub3A_182 = arith.subf %get3A_177, %get3A_181 : vector<16xf32>
      %swap3A_183 = arith.index_cast %scan3A_78 : i32 to index
      %swap3A_184 = arith.constant 112 : index
      %swap3A_185 = tpu.vector_load %arg11[%swap3A_183, %swap3A_184] {strides = array<i32>} : memref<80x128xf32, #tpu.memory_space<vmem>>, vector<1x16xf32>,
      %swap3A_186 = vector.shape_cast %swap3A_185 : vector<1x16xf32> to vector<16xf32>
      %swap3A_187 = vector.shape_cast %sub3A_182 : vector<16xf32> to vector<1x16xf32>
      tpu.vector_store %arg11[%swap3A_183, %swap3A_184], %swap3A_187 {strides = array<i32>} : memref<80x128xf32, #tpu.memory_space<vmem>>, vector<1x16xf32>,
    }
    %scan3A_59 = arith.constant 80 : i32
    %add3A_60 = arith.constant 9920 : i32
    %add3A_61 = arith.addi %mul3A_2, %add3A_60 : i32
    %dma_start3A_62 = arith.constant 0 : i32
    %dma_start3A_63 = tpu.memref_slice %arg6[%add3A_61, %dma_start3A_62] : memref<320000x128xf32, #tpu.memory_space<hbm>> -> memref<80x128xf32, #tpu.memory_space<hbm>>
    %dma_start3A_64 = arith.constant 0 : i32
    %dma_start3A_65 = tpu.memref_slice %arg6[%add3A_61, %dma_start3A_64] : memref<320000x128xf32, #tpu.memory_space<hbm>> -> memref<80x128xf32, #tpu.memory_space<hbm>>
    tpu.enqueue_dma source(%arg11 : memref<80x128xf32, #tpu.memory_space<vmem>>) target(%dma_start3A_65 : memref<80x128xf32, #tpu.memory_space<hbm>>) target_semaphore(%arg17 : memref<!tpu.dma_semaphore, #tpu.memory_space<semaphore_mem>>)
    %add3A_66 = arith.constant 9840 : i32
    %add3A_67 = arith.addi %mul3A_2, %add3A_66 : i32
    %dma_wait3A_68 = arith.constant 0 : i32
    %dma_wait3A_69 = tpu.memref_slice %arg6[%add3A_67, %dma_wait3A_68] : memref<320000x128xf32, #tpu.memory_space<hbm>> -> memref<80x128xf32, #tpu.memory_space<hbm>>
    %dma_wait3A_70 = arith.constant 0 : i32
    %dma_wait3A_71 = tpu.memref_slice %arg6[%add3A_67, %dma_wait3A_70] : memref<320000x128xf32, #tpu.memory_space<hbm>> -> memref<80x128xf32, #tpu.memory_space<hbm>>
    tpu.wait_dma2 semaphore(%arg18 : memref<!tpu.dma_semaphore, #tpu.memory_space<semaphore_mem>>) src(%arg12 : memref<80x128xf32, #tpu.memory_space<vmem>>) dst(%dma_wait3A_71 : memref<80x128xf32, #tpu.memory_space<hbm>>)
    %add3A_72 = arith.constant 9920 : i32
    %add3A_73 = arith.addi %mul3A_2, %add3A_72 : i32
    %dma_wait3A_74 = arith.constant 0 : i32
    %dma_wait3A_75 = tpu.memref_slice %arg6[%add3A_73, %dma_wait3A_74] : memref<320000x128xf32, #tpu.memory_space<hbm>> -> memref<80x128xf32, #tpu.memory_space<hbm>>
    %dma_wait3A_76 = arith.constant 0 : i32
    %dma_wait3A_77 = tpu.memref_slice %arg6[%add3A_73, %dma_wait3A_76] : memref<320000x128xf32, #tpu.memory_space<hbm>> -> memref<80x128xf32, #tpu.memory_space<hbm>>
    tpu.wait_dma2 semaphore(%arg17 : memref<!tpu.dma_semaphore, #tpu.memory_space<semaphore_mem>>) src(%arg11 : memref<80x128xf32, #tpu.memory_space<vmem>>) dst(%dma_wait3A_77 : memref<80x128xf32, #tpu.memory_space<hbm>>)
    return
  }
}

module attributes {stable_mosaic.version = 14 : i64} {
  func.func @body(%arg0: i32, %arg1: memref<1000x128xf32, #tpu.memory_space<vmem>>, %arg2: memref<1000x128xf32, #tpu.memory_space<vmem>>, %arg3: memref<1000x128xf32, #tpu.memory_space<vmem>>) attributes {dimension_semantics = [#tpu.dimension_semantics<arbitrary>], iteration_bounds = array<i64: 10>, scalar_prefetch = 0 : i64, scratch_operands = 0 : i64, tpu.core_type = #tpu.core_type<tc>, window_params = [{transform_indices = @transform_0, window_bounds = array<i64: 1000, 128>}, {transform_indices = @transform_1, window_bounds = array<i64: 1000, 128>}, {transform_indices = @transform_2, window_bounds = array<i64: 1000, 128>}]} {
    %get3A = arith.constant 0 : index
    %get3A_0 = arith.constant 0 : index
    %get3A_1 = vector.load %arg1[%get3A, %get3A_0] : memref<1000x128xf32, #tpu.memory_space<vmem>>, vector<1000x128xf32>
    %get3A_2 = arith.constant 0 : index
    %get3A_3 = arith.constant 0 : index
    %get3A_4 = vector.load %arg2[%get3A_2, %get3A_3] : memref<1000x128xf32, #tpu.memory_space<vmem>>, vector<1000x128xf32>
    %add3A = arith.addf %get3A_1, %get3A_4 : vector<1000x128xf32>
    %swap3A = arith.constant 0 : index
    %swap3A_5 = arith.constant 0 : index
    %swap3A_6 = vector.load %arg3[%swap3A, %swap3A_5] : memref<1000x128xf32, #tpu.memory_space<vmem>>, vector<1000x128xf32>
    tpu.vector_store %arg3[%swap3A, %swap3A_5], %add3A {strides = array<i32>} : memref<1000x128xf32, #tpu.memory_space<vmem>>, vector<1000x128xf32>,
    return
  }
  func.func @transform_0(%arg0: i32) -> (i32, i32) {
    %c0_i32 = arith.constant 0 : i32
    %c0_i32_0 = arith.constant 0 : i32
    return %arg0, %c0_i32 : i32, i32
  }
  func.func @transform_1(%arg0: i32) -> (i32, i32) {
    %c0_i32 = arith.constant 0 : i32
    %c0_i32_0 = arith.constant 0 : i32
    return %arg0, %c0_i32 : i32, i32
  }
  func.func @transform_2(%arg0: i32) -> (i32, i32) {
    %c0_i32 = arith.constant 0 : i32
    %c0_i32_0 = arith.constant 0 : i32
    return %arg0, %c0_i32 : i32, i32
  }
}

</mosaic_0001>

<sc_bundles>
// kernel: kernel.5.cloned.1.call-start
scs
__scs_entry_jumppad:
0x0: {  	(pc) =	sbr.rel $0x88, $3  }
0x1: {  	(tag) =	ssettag $0x0;
	lr =	simm.s32 $0x1  }
0x2: {  	[smem:$0x3F9E] =	sst lr;
	_ =	strace $0xD0000000  }
0x3: {  	_ = 	snop  }
0x4: {  	_ = 	snop  }
0x5: {  	_ = 	snop  }
0x6: {  	_ = 	snop  }
0x7: {  	_ = 	snop  }
__scs_overlays_trampoline_lowered:
0x8: {  	[smem:$0x3FAD] =	sst s0  }
0x9: {  	[smem:$0x3FAE] =	sst s1  }
0xa: {  	[smem:$0x3FAF] =	sst s2  }
0xb: {  	[smem:$0x3FB0] =	sst s3  }
0xc: {  	[smem:$0x3FB1] =	sst s4  }
0xd: {  	[smem:$0x3FB2] =	sst s5  }
0xe: {  	[smem:$0x3FB3] =	sst s6  }
0xf: {  	[smem:$0x3FB4] =	sst s7  }
0x10: {  	[smem:$0x3FB5] =	sst s8  }
0x11: {  	[smem:$0x3FB6] =	sst s9;
	s0 =	simm.s32 @!p0 $0x0  }
0x12: {  	s1 =	sld [smem:$0x3F9C];
	s0 =	simm.s32 @p0 $0x1  }
0x13: {  	[smem:$0x3FB7] =	sst s0;
	s0 =	simm.s32 @!p1 $0x0  }
0x14: {  	s2 =	sld [smem:$0x3F9B];
	s0 =	simm.s32 @p1 $0x1  }
0x15: {  	[smem:$0x3FB8] =	sst s0;
	s0 =	simm.s32 @!p2 $0x0  }
0x16: {  	s3 =	sld [smem:$0x3FDB];
	s0 =	simm.s32 @p2 $0x1  }
0x17: {  	s4 =	simm.s32 $0x1BF5;
	[smem:$0x3FBA] =	sst s0  }
0x18: {  	s0 =	sld [smem:$0x3F9D];
	_ =	swait.ge [sflag:s4], $0x0  }
0x19: {  	s7 =	sld [smem:$0x3F9E]  }
0x1a: {  	s8 =	sadd.s32 $0xFFFFE003, lr  }
0x1b: {  	s9 =	sadd.s32 $0xFFFFFEF7, lr;
	s5 =	simm.s32 $0xFFFFFFFF;
	p2 =	slt.u32 s8, $0xFFFFF086  }
0x1c: {  	p1 =	slt.u32 s9, $0xF7A;
	s5 =	simm.s32 @!p2 $0x0  }
0x1d: {  	s5 =	simm.s32 @p1 $0x1;
	p0 =	seq.s32 s7, s2  }
0x1e: {  	s7 =	smul.u32 @!p0 $0xF7A, s2;
	p2 =	seq.s32 @!p0 s5, $0x0  }
0x1f: {  	s9 =	smul.u32 $0xF7A, s1;
	s8 =	simm.s32 @!p0 $0x1BF5;
	p2 =	por !p2, p0  }
0x20: {  	[sflag:s8] =	ssyncset.s32 @!p0 $0xFFFFF086;
	s6 =	sadd.s32 @!p0 s3, s7;
	s7 =	simm.s32 @!p0 $0x108  }
0x21: {  	s3 =	sadd.s32 s3, s9;
	s6 =	sadd.s32 @!p0 $0x88, s6;
	s7 =	simm.s32 @p2 $0x1082  }
0x22: {  	[simem:s7], [sflag:s8] =	dma.local @!p0 [hbm:s6], $0xF7A  }
0x23: {  	s9 =	sor.u32 $0xD0000000, s2;
	s6 =	simm.s32 $0x108;
	_ =	swait.ge @!p0 [sflag:s8], $0x0  }
0x24: {  	s3 =	sadd.s32 $0x88, s3;
	s6 =	simm.s32 @!p1 $0x1082;
	[sflag:s4] =	ssyncset.s32 $0xFFFFF086  }
0x25: {  	[simem:s6], [sflag:s4] =	dma.local [hbm:s3], $0xF7A  }
0x26: {  	[smem:$0x3F9E] =	sst s1;
	(tag) =	ssettag s2;
	_ =	strace s9  }
0x27: {  	s1 =	sld [smem:$0x3FAE]  }
0x28: {  	s2 =	sld [smem:$0x3FAF]  }
0x29: {  	s4 =	sld [smem:$0x3FB1]  }
0x2a: {  	p0 =	seq.s32 s5, $0x0;
	s5 =	sld [smem:$0x3FB2]  }
0x2b: {  	s6 =	sld [smem:$0x3FB3]  }
0x2c: {  	s7 =	sld [smem:$0x3FB4]  }
0x2d: {  	s3 =	simm.s32 $0x108;
	s8 =	sld [smem:$0x3FB5]  }
0x2e: {  	s3 =	simm.s32 @!p0 $0x1082;
	s9 =	sld [smem:$0x3FB6]  }
0x2f: {  	lr =	sadd.s32 s0, s3;
	s0 =	sld [smem:$0x3FAD]  }
0x30: {  	s3 =	sld [smem:$0x3FB0]  }
0x31: {  	[smem:$0x3FB9] =	sst s10  }
0x32: {  	s10 =	sld [smem:$0x3FB7];
	_ =	sdelay $0x3  }
0x33: {  	p0 =	seq.s32 s10, $0x1;
	s10 =	sld [smem:$0x3FB9];
	_ =	sdelay $0x3  }
0x34: {  	[smem:$0x3FB9] =	sst s10  }
0x35: {  	s10 =	sld [smem:$0x3FB8];
	_ =	sdelay $0x3  }
0x36: {  	p1 =	seq.s32 s10, $0x1;
	s10 =	sld [smem:$0x3FB9];
	_ =	sdelay $0x3  }
0x37: {  	[smem:$0x3FB9] =	sst s10  }
0x38: {  	s10 =	sld [smem:$0x3FBA]  }
0x39: {  	_ = 	snop;
	(pc) =	sbr.ind lr, $3  }
0x3a: {  	_ = 	snop  }
0x3b: {  	_ = 	snop  }
0x3c: {  	p2 =	seq.s32 s10, $0x1;
	s10 =	sld [smem:$0x3FB9]  }
0x3d: {  	_ =	shalt  }
0x3e: {  	_ =	shalt  }
0x3f: {  	_ =	shalt  }
0x40: {  	_ =	shalt  }
0x41: {  	_ =	shalt  }
0x42: {  	_ =	shalt  }
0x43: {  	_ =	shalt  }
0x44: {  	_ =	shalt  }
0x45: {  	_ =	shalt  }
0x46: {  	_ =	shalt  }
0x47: {  	_ =	shalt  }
0x48: {  	_ =	shalt  }
0x49: {  	_ =	shalt  }
0x4a: {  	_ =	shalt  }
0x4b: {  	_ =	shalt  }
0x4c: {  	_ =	shalt  }
0x4d: {  	_ =	shalt  }
0x4e: {  	_ =	shalt  }
0x4f: {  	_ =	shalt  }
0x50: {  	_ =	shalt  }
0x51: {  	_ =	shalt  }
0x52: {  	_ =	shalt  }
0x53: {  	_ =	shalt  }
0x54: {  	_ =	shalt  }
0x55: {  	_ =	shalt  }
0x56: {  	_ =	shalt  }
0x57: {  	_ =	shalt  }
0x58: {  	_ =	shalt  }
0x59: {  	_ =	shalt  }
0x5a: {  	_ =	shalt  }
0x5b: {  	_ =	shalt  }
0x5c: {  	_ =	shalt  }
0x5d: {  	_ =	shalt  }
0x5e: {  	_ =	shalt  }
0x5f: {  	_ =	shalt  }
0x60: {  	_ =	shalt  }
0x61: {  	_ =	shalt  }
0x62: {  	_ =	shalt  }
0x63: {  	_ =	shalt  }
0x64: {  	_ =	shalt  }
0x65: {  	_ =	shalt  }
0x66: {  	_ =	shalt  }
0x67: {  	_ =	shalt  }
0x68: {  	_ =	shalt  }
0x69: {  	_ =	shalt  }
0x6a: {  	_ =	shalt  }
0x6b: {  	_ =	shalt  }
0x6c: {  	_ =	shalt  }
0x6d: {  	_ =	shalt  }
0x6e: {  	_ =	shalt  }
0x6f: {  	_ =	shalt  }
0x70: {  	_ =	shalt  }
0x71: {  	_ =	shalt  }
0x72: {  	_ =	shalt  }
0x73: {  	_ =	shalt  }
0x74: {  	_ =	shalt  }
0x75: {  	_ =	shalt  }
0x76: {  	_ =	shalt  }
0x77: {  	_ =	shalt  }
0x78: {  	_ =	shalt  }
0x79: {  	_ =	shalt  }
0x7a: {  	_ =	shalt  }
0x7b: {  	_ =	shalt  }
0x7c: {  	_ =	shalt  }
0x7d: {  	_ =	shalt  }
0x7e: {  	_ =	shalt  }
0x7f: {  	_ =	shalt  }
0x80: {  	_ =	shalt  }
0x81: {  	_ =	shalt  }
0x82: {  	_ =	shalt  }
0x83: {  	_ =	shalt  }
0x84: {  	_ =	shalt  }
0x85: {  	_ =	shalt  }
0x86: {  	_ =	shalt  }
0x87: {  	_ =	shalt  }
.Lfunc_end0:
.L_simem_size_0:
called_computation_lowered:
.L_overlay_start_0:
0x88: {  	s2 =	sld [smem:$0x3FD9]  }
0x89: {  	s3 =	sld [smem:$0x3FFE];
	_ =	sdelay $0x1  }
0x8a: {  	s1 =	srdreg.scid  }
0x8b: {  	s0 =	sand.u32 $0x1, s1  }
0x8c: {  	s17 =	sshll.u32 s0, $0xA;
	s2 =	sadd.s32 s3, s2  }
0x8d: {  	s2 =	sadd.s32 s2, s17  }
0x8e: {  	[smem:$0x3FC5] =	sst s2  }
0x8f: {  	_ = 	snop  }
0x90: {  	s2 =	sld [smem:$0x3FC9]  }
0x91: {  	s18 =	sld [smem:$0x3FD0];
	(tm) =	ssettm $0x1  }
0x92: {  	s4 =	sld [smem:$0x3FFB];
	_ =	sdelay $0x3  }
0x93: {  	_ =	strace s4  }
0x94: {  	s4 =	sld [smem:$0x3FFC];
	_ =	sdelay $0x3  }
0x95: {  	_ =	strace s4  }
0x96: {  	s4 =	sld [smem:$0x3FFD];
	_ =	sdelay $0x3  }
0x97: {  	_ =	strace s4  }
0x98: {  	_ =	strace $0x8FFFFFFF  }
0x99: {  	s19 =	sld [smem:$0x3FDB];
	_ =	sdelay $0x1  }
0x9a: {  	s5 =	simm.s32 $_scs_section_size  }
0x9b: {  	s6 =	simm.s32 $_size__tile_overlayer_lowered;
	s7 =	simm.s32 $_tile_overlayer_lowered  }
0x9c: {  	s22 =	simm.s32 $0x1BFF;
	s21 =	sshll.u32 s7, $0x1;
	s4 =	sadd.s32 s5, s19  }
0x9d: {  	s8 =	simm.s32 $0x0;
	s20 =	sshll.u32 s6, $0x1;
	s6 =	sadd.s32 s21, s4  }
0x9e: {  	[timem:s8], [sflag:s22] =	dma.local [hbm:s6], s20  }
0x9f: {  	_ =	swait.ge [sflag:s22], s20  }
0xa0: {  	s5 =	ssub.s32 $0x0, s20;
	[sflag:s22] =	ssyncset.done $0x0  }
0xa1: {  	[sflag:s22] =	ssyncadd.s32 s5;
	_ =	sdelay $0x1  }
0xa2: {  	s23 =	simm.s32 $0x1B8B  }
0xa3: {  	_ =	swait.ge [sflag:s23], $0x1  }
0xa4: {  	[sflag:s23] =	ssyncset.done $0x0  }
0xa5: {  	s25 =	simm.s32 $0x1B8E;
	s24 =	sld [smem:$0x3FFE];
	[sflag:s23] =	ssyncadd.s32 $0xFFFFFFFF  }
0xa6: {  	s26 =	simm.s32 $execute0_lowered;
	[smem:$0x3FD2] =	sst s25  }
0xa7: {  	s6 =	sshll.u32 s26, $0x1;
	_ =	strace $0x80000046;
	[dreg:$0x1] =	wrdreg $0xFFFFFFFF  }
0xa8: {  	s28 =	simm.s32 $_size_execute0_lowered;
	s4 =	sadd.s32 s4, s6;
	[dreg:$0x0] =	wrdreg $0x0  }
0xa9: {  	s6 =	sshll.u32 s28, $0x1;
	[dreg:$0x2] =	wrdreg s4  }
0xaa: {  	[dreg:$0x3] =	wrdreg s6  }
0xab: {  	[dreg:$0x4] =	wrdreg $0xC0  }
0xac: {  	_ =	task [dreg:s8], $0x5FFFF  }
0xad: {  	[dreg:$0x1] =	wrdreg $0xFFFFFFFF  }
0xae: {  	[dreg:$0x0] =	wrdreg $0x60  }
0xaf: {  	[dreg:$0x2] =	wrdreg s2  }
0xb0: {  	[dreg:$0x3] =	wrdreg s24  }
0xb1: {  	[dreg:$0x4] =	wrdreg s18  }
0xb2: {  	[dreg:$0x5] =	wrdreg $0x0  }
0xb3: {  	[dreg:$0x6] =	wrdreg $0x9  }
0xb4: {  	_ =	task.clear_ibuf [dreg:s8], $0x7FFFF;
	_ =	strace $0x90000046  }
0xb5: {  	s29 =	simm.s32 $0x9;
	_ =	strace $0x80000048  }
0xb6: {  	_ =	swait.ge [sflag:s29], $0x1  }
0xb7: {  	[sflag:s29] =	ssyncadd.s32 $0xFFFFFFFF  }
0xb8: {  	_ =	strace $0x90000048  }
0xb9: {  	_ =	sfence  }
0xba: {  	s30 =	sld [smem:$0x0];
	_ =	sdelay $0x2  }
0xbb: {  	s31 =	sshll.u32 s1, $0xD;
	s1 =	sshrl.u32 s1, $0x2  }
0xbc: {  	s3 =	sand.u32 $0x4000, s31;
	s1 =	sadd.s32 s1, s30  }
0xbd: {  	s0 =	sor.u32 s3, s0;
	s1 =	sshll.u32 s1, $0x11  }
0xbe: {  	s0 =	sor.u32 s1, s0  }
0xbf: {  	s0 =	sadd.s32 $0x8F2B, s0  }
0xc0: {  	[sflag:s0] =	ssyncadd.remote.s32 $0x1  }
0xc1: {  	_ =	sfence.sel $0xFFFF  }
0xc2: {  	[dreg:$0x0] =	wrdreg $0xFFFFFFFF;
	(pc) =	sbr.abs _section_cstart, $3  }
0xc3: {  	[dreg:$0x1] =	wrdreg $0xFFFFFFFF  }
0xc4: {  	_ =	task.clear_ibuf [dreg:s8], $0x2FFFF;
	_ =	strace $0x9FFFFFFF  }
0xc5: {  	(tm) =	ssettm $0x7FFFFFFF  }
tec
execute0_lowered:
.L_overlay_start_1:
0x0: {  	(tag) =	ssettag $0x1  }
0x1: {  	s7 =	rddreg [dreg:$0x0]  }
0x2: {  	s4 =	rddreg [dreg:$0x1]  }
0x3: {  	s10 =	rddreg [dreg:$0x2]  }
0x4: {  	s1 =	rddreg [dreg:$0x3];
	s2 =	srdreg.scid  }
0x5: {  	s0 =	rddreg [dreg:$0x4];
	s3 =	simm.s32 $0x0;
	s14 =	simm.s32 $0x16080  }
0x6: {  	s15 =	simm.s32 $0x1;
	s16 =	simm.s32 $0x50;
	s17 =	simm.s32 $0x3  }
0x7: {  	s18 =	simm.s32 $0x2;
	s19 =	simm.s32 $0x4;
	s20 =	simm.s32 $0x1C580  }
0x8: {  	s21 =	simm.s32 $0x1C600;
	s22 =	simm.s32 $0x1C680;
	s8 =	sand.u32 $0x1, s2  }
0x9: {  	s23 =	simm.s32 $0x0;
	s2 =	stileid.u32;
	s29 =	smul.u32 $0x271000, s8  }
0xa: {  	[smem:$0x7FF] =	sst s3;
	s5 =	sshll.u32 s8, $0x4;
	s30 =	smul.u32 $0x27100, s2  }
0xb: {  	s6 =	ssub.s32 $0x2, s8;
	s13 =	smul.u32 $0x27100, s8;
	s5 =	sor.u32 s2, s5  }
0xc: {  	_ =	strace $0x80000047;
	s11 =	sshrl.u32 s6, $0x1;
	s12 =	smul.u32 $0x138800, s5  }
0xd: {  	s9 =	sshll.u32 s5, $0xB;
	s26 =	ssub.s32 s6, s11;
	s5 =	smul.u32 $0x27100, s5  }
0xe: {  	s11 =	sadd.s32 s29, s7;
	s10 =	sadd.s32 s13, s10;
	s13 =	simm.s32 $0x13880  }
0xf: {  	s4 =	sadd.s32 s9, s4;
	s31 =	sadd.s32 s30, s11;
	s11 =	simm.s32 $0x18880  }
0x10: {  	s4 =	sadd.s32 $0xA000, s4;
	s28 =	sshrl.u32 s12, $0x3;
	s5 =	sadd.s32 s7, s5  }
0x11: {  	s9 =	sadd.s32 $0xF00, s31;
	s12 =	simm.s32 $0x5;
	s6 =	sadd.s32 s7, s28  }
0x12: {  	v0 =	vimm.f32 $0.0e+00;
	s7 =	smax.u32 s26, $0x1;
	s8 =	sadd.s32 $0x26C00, s5;
	s6 =	sadd.s32 $0x500, s6  }
.LBB2_1:
0x13: {  	[tilespmem:s11], [sflag:$0x5] =	stream.linear.gather [hbm4b:s4+s3], $0x3E80, $0x38;
	[tilespmem:$0x1F080] =	vst v63  }
0x14: {  	_ =	swait.ge [sflag:s12], $0x3E80  }
0x15: {  	[sflag:s12] =	ssyncset.done $0x0  }
0x16: {  	s24 =	simm.s32 $0x0;
	s25 =	simm.s32 $0x0;
	[sflag:s12] =	ssyncadd.s32 $0xFFFFC180  }
.LBB2_2:
0x17: {  	p0 =	sne.s32 s25, $0x9FC0  }
.Ltmp0:
0x18: {  	_ = 	snop;
	(pc) =	sbr.rel @p0 .LBB2_2-.Ltmp0, $4  }
0x19: {  	s26 =	sand.u32 $0xFE00, s25  }
0x1a: {  	s28 =	sand.u32 $0x70, s24;
	s26 =	sshrl.u32 s26, $0x2  }
0x1b: {  	s26 =	sor.u32 s28, s26  }
0x1c: {  	s24 =	sadd.s32 $0x10, s24;
	s25 =	sadd.s32 $0x40, s25;
	[tilespmem:s26+$0x1C880] =	vst v0  }
0x1d: {  	s24 =	simm.s32 $0x0  }
0x1e: {  	s24 =	sand.u32 $0xF, s24  }
0x1f: {  	p0 =	sne.s32 s24, s2  }
0x20: {  	s24 =	simm.s32 @!p0 $0x1C880;
	s28 =	simm.s32 @!p0 $0x5  }
0x21: {  	[spmem:s1] =	stream.linear.scatter @!p0 [tilespmem:s24], [sflag:$0x5], $0x2800, $0x38;
	[tilespmem:$0x1F080] =	vst v63  }
0x22: {  	s25 =	simm.s32 $0x1;
	_ =	swait.ge @!p0 [sflag:s28], $0x2800  }
0x23: {  	s26 =	simm.s32 $0x2;
	s24 =	sadd.s32 $0x2800, s1;
	[sflag:s28] =	ssyncset.done @!p0 $0x0  }
.LBB2_4:
0x24: {  	s29 =	sand.u32 $0xF, s25;
	s25 =	smov.u32 s26;
	s26 =	sadd.s32 $0x1, s26  }
0x25: {  	[sflag:s28] =	ssyncadd.s32 @!p0 $0xFFFFD800;
	p1 =	sne.s32 s26, $0x7D  }
.Ltmp1:
0x26: {  	p0 =	sne.s32 s29, s2;
	(pc) =	sbr.rel @p1 .LBB2_4-.Ltmp1, $4  }
0x27: {  	s29 =	simm.s32 @!p0 $0x1C880;
	s28 =	simm.s32 @!p0 $0x5  }
0x28: {  	[spmem:s24] =	stream.linear.scatter @!p0 [tilespmem:s29], [sflag:$0x5], $0x2800, $0x38;
	[tilespmem:$0x1F080] =	vst v63  }
0x29: {  	_ =	swait.ge @!p0 [sflag:s28], $0x2800  }
0x2a: {  	s24 =	sadd.s32 $0x2800, s24;
	[sflag:s28] =	ssyncset.done @!p0 $0x0  }
0x2b: {  	s25 =	sand.u32 $0xF, s25  }
0x2c: {  	p1 =	sne.s32 s25, s2  }
0x2d: {  	[sflag:s28] =	ssyncadd.s32 @!p0 $0xFFFFD800;
	s25 =	simm.s32 @!p1 $0x1C880;
	s26 =	simm.s32 @!p1 $0x5  }
0x2e: {  	[spmem:s24] =	stream.linear.scatter @!p1 [tilespmem:s25], [sflag:$0x5], $0x2800, $0x38;
	[tilespmem:$0x1F080] =	vst v63  }
0x2f: {  	_ =	swait.ge @!p1 [sflag:s26], $0x2800  }
0x30: {  	[sflag:s26] =	ssyncset.done @!p1 $0x0  }
0x31: {  	[sflag:s26] =	ssyncadd.s32 @!p1 $0xFFFFD800  }
0x32: {  	s28 =	simm.s32 $0x0;
	[bflag:$0x0] =	sbarrier.arrive $0xFFFF  }
0x33: {  	[tilespmem:s13], [sflag:$0x1] =	stream.linear.gather [hbm4b:s5+s28], $0x2800, $0x38;
	[tilespmem:$0x1F080] =	vst v63  }
0x34: {  	_ = 	snop  }
0x35: {  	[tilespmem:s14], [sflag:$0x2] =	stream.linear.gather [hbm4b:s6+s28], $0x2800, $0x38;
	[tilespmem:$0x1F080] =	vst v63  }
0x36: {  	_ =	swait.ge [sflag:s15], $0x2800  }
0x37: {  	[sflag:s15] =	ssyncset.done $0x0  }
0x38: {  	s29 =	simm.s32 $0x18880;
	[sflag:s15] =	ssyncadd.s32 $0xFFFFD800  }
0x39: {  	[spmem:s1] =	stream.indirect.scatter.add.f32 [tilespmem:s13], [sflag:$0x3], $0x80, s29, s16, $0xb8;
	[tilespmem:$0x1F080] =	vst v63  }
0x3a: {  	_ =	swait.ge [sflag:s17], $0x2800  }
0x3b: {  	[sflag:s17] =	ssyncset.done $0x0  }
0x3c: {  	s30 =	sadd.s32 $0xFFFFFB00, s9;
	[sflag:s17] =	ssyncadd.s32 $0xFFFFD800  }
0x3d: {  	[tilespmem:s13], [sflag:$0x1] =	stream.linear.gather [hbm4b:s30+s3], $0x2800, $0x38;
	[tilespmem:$0x1F080] =	vst v63  }
0x3e: {  	_ =	swait.ge [sflag:s18], $0x2800  }
0x3f: {  	[sflag:s18] =	ssyncset.done $0x0  }
0x40: {  	s31 =	simm.s32 $0x18900;
	[sflag:s18] =	ssyncadd.s32 $0xFFFFD800  }
0x41: {  	[spmem:s1] =	stream.indirect.scatter.add.f32 [tilespmem:s14], [sflag:$0x4], $0x80, s31, s16, $0xb8;
	[tilespmem:$0x1F080] =	vst v63  }
0x42: {  	_ =	swait.ge [sflag:s19], $0x2800  }
0x43: {  	s24 =	simm.s32 $0x400;
	[sflag:s19] =	ssyncset.done $0x0  }
0x44: {  	s25 =	sadd.s32 $0xA00, s9;
	s26 =	smov.u32 s9;
	[sflag:s19] =	ssyncadd.s32 $0xFFFFD800  }
.LBB2_6:
0x45: {  	[tilespmem:s14], [sflag:$0x2] =	stream.linear.gather [hbm4b:s26+s3], $0x2800, $0x38;
	[tilespmem:$0x1F080] =	vst v63  }
0x46: {  	s28 =	smov.u32 s24;
	s26 =	smov.u32 s25  }
0x47: {  	p0 =	sne.s32 s24, $0xF000;
	s24 =	sadd.s32 $0x400, s24;
	_ =	swait.ge [sflag:s15], $0x2800  }
0x48: {  	s28 =	sshra.s32 s28, $0x2;
	[sflag:s15] =	ssyncset.done $0x0  }
0x49: {  	s29 =	sadd.s32 $0x18880, s28;
	[sflag:s15] =	ssyncadd.s32 $0xFFFFD800  }
0x4a: {  	[spmem:s1] =	stream.indirect.scatter.add.f32 [tilespmem:s13], [sflag:$0x3], $0x80, s29, s16, $0xb8;
	[tilespmem:$0x1F080] =	vst v63  }
0x4b: {  	_ =	swait.ge [sflag:s17], $0x2800  }
0x4c: {  	[sflag:s17] =	ssyncset.done $0x0  }
0x4d: {  	s29 =	sadd.s32 $0xFFFFFB00, s25;
	[sflag:s17] =	ssyncadd.s32 $0xFFFFD800  }
0x4e: {  	[tilespmem:s13], [sflag:$0x1] =	stream.linear.gather [hbm4b:s29+s3], $0x2800, $0x38;
	[tilespmem:$0x1F080] =	vst v63  }
0x4f: {  	_ =	swait.ge [sflag:s18], $0x2800  }
0x50: {  	[sflag:s18] =	ssyncset.done $0x0  }
.Ltmp2:
0x51: {  	s28 =	sadd.s32 $0x18900, s28;
	[sflag:s18] =	ssyncadd.s32 $0xFFFFD800;
	(pc) =	sbr.rel @p0 .LBB2_6-.Ltmp2, $4  }
0x52: {  	[spmem:s1] =	stream.indirect.scatter.add.f32 [tilespmem:s14], [sflag:$0x4], $0x80, s28, s16, $0xb8;
	[tilespmem:$0x1F080] =	vst v63  }
0x53: {  	_ =	swait.ge [sflag:s19], $0x2800  }
0x54: {  	[sflag:s19] =	ssyncset.done $0x0  }
0x55: {  	s25 =	sadd.s32 $0xA00, s25;
	[sflag:s19] =	ssyncadd.s32 $0xFFFFD800  }
0x56: {  	[tilespmem:s14], [sflag:$0x2] =	stream.linear.gather [hbm4b:s26+s3], $0x2800, $0x38;
	[tilespmem:$0x1F080] =	vst v63  }
0x57: {  	_ =	swait.ge [sflag:s15], $0x2800  }
0x58: {  	[sflag:s15] =	ssyncset.done $0x0  }
0x59: {  	[sflag:s15] =	ssyncadd.s32 $0xFFFFD800  }
0x5a: {  	[spmem:s1] =	stream.indirect.scatter.add.f32 [tilespmem:s13], [sflag:$0x3], $0x80, s20, s16, $0xb8;
	[tilespmem:$0x1F080] =	vst v63  }
0x5b: {  	_ =	swait.ge [sflag:s17], $0x2800  }
0x5c: {  	[sflag:s17] =	ssyncset.done $0x0  }
0x5d: {  	s24 =	simm.s32 $0x0;
	[sflag:s17] =	ssyncadd.s32 $0xFFFFD800  }
0x5e: {  	[tilespmem:s13], [sflag:$0x1] =	stream.linear.gather [hbm4b:s8+s24], $0x2800, $0x38;
	[tilespmem:$0x1F080] =	vst v63  }
0x5f: {  	_ =	swait.ge [sflag:s18], $0x2800  }
0x60: {  	[sflag:s18] =	ssyncset.done $0x0  }
0x61: {  	[sflag:s18] =	ssyncadd.s32 $0xFFFFD800  }
0x62: {  	[spmem:s1] =	stream.indirect.scatter.add.f32 [tilespmem:s14], [sflag:$0x4], $0x80, s21, s16, $0xb8;
	[tilespmem:$0x1F080] =	vst v63  }
0x63: {  	_ =	swait.ge [sflag:s19], $0x2800  }
0x64: {  	[sflag:s19] =	ssyncset.done $0x0  }
0x65: {  	[sflag:s19] =	ssyncadd.s32 $0xFFFFD800  }
0x66: {  	_ =	swait.ge [sflag:s15], $0x2800  }
0x67: {  	[sflag:s15] =	ssyncset.done $0x0  }
0x68: {  	[sflag:s15] =	ssyncadd.s32 $0xFFFFD800  }
0x69: {  	[spmem:s1] =	stream.indirect.scatter.add.f32 [tilespmem:s13], [sflag:$0x3], $0x80, s22, s16, $0xb8;
	[tilespmem:$0x1F080] =	vst v63  }
0x6a: {  	s24 =	sand.u32 $0xF, s24;
	_ =	swait.ge [sflag:s17], $0x2800  }
0x6b: {  	s31 =	simm.s32 $0x1;
	p0 =	sne.s32 s24, s2;
	[sflag:s17] =	ssyncset.done $0x0  }
0x6c: {  	s24 =	sshll.u32 @!p0 s2, $0x6;
	s25 =	sshrl.u32 @!p0 s1, $0x3;
	[sflag:s17] =	ssyncadd.s32 $0xFFFFD800  }
0x6d: {  	s28 =	simm.s32 @!p0 $0x5;
	s24 =	sor.u32 @!p0 $0x1C05, s24;
	[bflag:$0x0] =	sbarrier.arrive $0xFFFF  }
0x6e: {  	[hbm:s10], [sflag:s24] =	dma.local @!p0 [spmem:s25], $0xC80  }
0x6f: {  	s26 =	sadd.s32 $0x6400, s1;
	s29 =	sand.u32 $0xF, s31;
	_ =	swait.ge @!p0 [sflag:s28], $0xC80  }
0x70: {  	s25 =	simm.s32 $0x2;
	s24 =	sadd.s32 $0xC80, s10;
	[sflag:s28] =	ssyncset.done @!p0 $0x0  }
.LBB2_8:
0x71: {  	[sflag:s28] =	ssyncadd.s32 @!p0 $0xFFFFF380  }
0x72: {  	p0 =	sne.s32 s29, s2;
	s29 =	smov.u32 s25;
	s25 =	sadd.s32 $0x1, s25  }
0x73: {  	p1 =	sne.s32 s25, $0x32  }
.Ltmp3:
0x74: {  	s28 =	sshll.u32 @!p0 s2, $0x6;
	s30 =	sshrl.u32 @!p0 s26, $0x3;
	(pc) =	sbr.rel @p1 .LBB2_8-.Ltmp3, $4  }
0x75: {  	s31 =	sor.u32 @!p0 $0x1C05, s28;
	s28 =	simm.s32 @!p0 $0x5  }
0x76: {  	[hbm:s24], [sflag:s31] =	dma.local @!p0 [spmem:s30], $0xC80  }
0x77: {  	s24 =	sadd.s32 $0xC80, s24;
	_ =	swait.ge @!p0 [sflag:s28], $0xC80  }
0x78: {  	s29 =	sand.u32 $0xF, s29;
	s26 =	sadd.s32 $0x6400, s26;
	[sflag:s28] =	ssyncset.done @!p0 $0x0  }
0x79: {  	p1 =	sne.s32 s29, s2;
	[sflag:s28] =	ssyncadd.s32 @!p0 $0xFFFFF380;
	s23 =	sadd.s32 $0x1, s23  }
0x7a: {  	s25 =	sshll.u32 @!p1 s2, $0x6;
	s26 =	sshrl.u32 @!p1 s26, $0x3;
	p0 =	sne.s32 s23, s7  }
.Ltmp4:
0x7b: {  	s28 =	simm.s32 @!p1 $0x5;
	s25 =	sor.u32 @!p1 $0x1C05, s25;
	(pc) =	sbr.rel @p0 .LBB2_1-.Ltmp4, $4  }
0x7c: {  	[hbm:s24], [sflag:s25] =	dma.local @!p1 [spmem:s26], $0xC80  }
0x7d: {  	_ =	swait.ge @!p1 [sflag:s28], $0xC80  }
0x7e: {  	[sflag:s28] =	ssyncset.done @!p1 $0x0  }
0x7f: {  	[sflag:s28] =	ssyncadd.s32 @!p1 $0xFFFFF380  }
0x80: {  	_ =	sfence.sel $0x180000  }
0x81: {  	[bflag:$0x0] =	sbarrier.arrive $0xFFFF  }
0x82: {  	p0 =	sne.s32 s2, $0x0;
	_ =	strace $0x90000047  }
0x83: {  	s0 =	sadd.s32 @!p0 $0x100000, s0;
	[bflag:$0x2] =	sbarrier.arrive $0xFFFF  }
0x84: {  	[sflag:s0] =	ssyncadd.tile.s32 @!p0 $0x1;
	_ =	shalt  }
.Lfunc_end2:
_tile_overlayer_lowered:
.L_overlay_start_2:
0x85: {  	(tag) =	ssettag $0x2  }
0x86: {  	s0 =	rddreg [dreg:$0x0];
	s2 =	stileid.u32  }
0x87: {  	s1 =	rddreg [dreg:$0x1];
	p0 =	sne.s32 s2, $0x0  }
0x88: {  	s3 =	rddreg [dreg:$0x2];
	[bflag:$0x3] =	sbarrier.arrive $0xFFFF;
	s2 =	simm.s32 @!p0 $0x1C05  }
0x89: {  	[timem:s3], [sflag:s2] =	dma.local @!p0 [hbm:s0], s1  }
0x8a: {  	s0 =	simm.s32 @!p0 $0x5  }
0x8b: {  	_ =	swait.ge @!p0 [sflag:s0], s1  }
0x8c: {  	s1 =	ssub.s32 @!p0 $0x0, s1;
	[sflag:s0] =	ssyncset.done @!p0 $0x0  }
0x8d: {  	[sflag:s0] =	ssyncadd.s32 @!p0 s1  }
0x8e: {  	[bflag:$0x3] =	sbarrier.arrive $0xFFFF  }
0x8f: {  	_ =	shalt  }

// kernel: kernel.8.cloned.1.call-start
scs
__scs_entry_jumppad:
0x0: {  	(pc) =	sbr.rel $0x88, $3  }
0x1: {  	(tag) =	ssettag $0x0;
	lr =	simm.s32 $0x1  }
0x2: {  	[smem:$0x3F9E] =	sst lr;
	_ =	strace $0xD0000000  }
0x3: {  	_ = 	snop  }
0x4: {  	_ = 	snop  }
0x5: {  	_ = 	snop  }
0x6: {  	_ = 	snop  }
0x7: {  	_ = 	snop  }
__scs_overlays_trampoline_lowered:
0x8: {  	[smem:$0x3FAD] =	sst s0  }
0x9: {  	[smem:$0x3FAE] =	sst s1  }
0xa: {  	[smem:$0x3FAF] =	sst s2  }
0xb: {  	[smem:$0x3FB0] =	sst s3  }
0xc: {  	[smem:$0x3FB1] =	sst s4  }
0xd: {  	[smem:$0x3FB2] =	sst s5  }
0xe: {  	[smem:$0x3FB3] =	sst s6  }
0xf: {  	[smem:$0x3FB4] =	sst s7  }
0x10: {  	[smem:$0x3FB5] =	sst s8  }
0x11: {  	[smem:$0x3FB6] =	sst s9;
	s0 =	simm.s32 @!p0 $0x0  }
0x12: {  	s1 =	sld [smem:$0x3F9C];
	s0 =	simm.s32 @p0 $0x1  }
0x13: {  	[smem:$0x3FB7] =	sst s0;
	s0 =	simm.s32 @!p1 $0x0  }
0x14: {  	s2 =	sld [smem:$0x3F9B];
	s0 =	simm.s32 @p1 $0x1  }
0x15: {  	[smem:$0x3FB8] =	sst s0;
	s0 =	simm.s32 @!p2 $0x0  }
0x16: {  	s3 =	sld [smem:$0x3FDB];
	s0 =	simm.s32 @p2 $0x1  }
0x17: {  	s4 =	simm.s32 $0x1BF5;
	[smem:$0x3FBA] =	sst s0  }
0x18: {  	s0 =	sld [smem:$0x3F9D];
	_ =	swait.ge [sflag:s4], $0x0  }
0x19: {  	s7 =	sld [smem:$0x3F9E]  }
0x1a: {  	s8 =	sadd.s32 $0xFFFFE003, lr  }
0x1b: {  	s9 =	sadd.s32 $0xFFFFFEF7, lr;
	s5 =	simm.s32 $0xFFFFFFFF;
	p2 =	slt.u32 s8, $0xFFFFF086  }
0x1c: {  	p1 =	slt.u32 s9, $0xF7A;
	s5 =	simm.s32 @!p2 $0x0  }
0x1d: {  	s5 =	simm.s32 @p1 $0x1;
	p0 =	seq.s32 s7, s2  }
0x1e: {  	s7 =	smul.u32 @!p0 $0xF7A, s2;
	p2 =	seq.s32 @!p0 s5, $0x0  }
0x1f: {  	s9 =	smul.u32 $0xF7A, s1;
	s8 =	simm.s32 @!p0 $0x1BF5;
	p2 =	por !p2, p0  }
0x20: {  	[sflag:s8] =	ssyncset.s32 @!p0 $0xFFFFF086;
	s6 =	sadd.s32 @!p0 s3, s7;
	s7 =	simm.s32 @!p0 $0x108  }
0x21: {  	s3 =	sadd.s32 s3, s9;
	s6 =	sadd.s32 @!p0 $0x88, s6;
	s7 =	simm.s32 @p2 $0x1082  }
0x22: {  	[simem:s7], [sflag:s8] =	dma.local @!p0 [hbm:s6], $0xF7A  }
0x23: {  	s9 =	sor.u32 $0xD0000000, s2;
	s6 =	simm.s32 $0x108;
	_ =	swait.ge @!p0 [sflag:s8], $0x0  }
0x24: {  	s3 =	sadd.s32 $0x88, s3;
	s6 =	simm.s32 @!p1 $0x1082;
	[sflag:s4] =	ssyncset.s32 $0xFFFFF086  }
0x25: {  	[simem:s6], [sflag:s4] =	dma.local [hbm:s3], $0xF7A  }
0x26: {  	[smem:$0x3F9E] =	sst s1;
	(tag) =	ssettag s2;
	_ =	strace s9  }
0x27: {  	s1 =	sld [smem:$0x3FAE]  }
0x28: {  	s2 =	sld [smem:$0x3FAF]  }
0x29: {  	s4 =	sld [smem:$0x3FB1]  }
0x2a: {  	p0 =	seq.s32 s5, $0x0;
	s5 =	sld [smem:$0x3FB2]  }
0x2b: {  	s6 =	sld [smem:$0x3FB3]  }
0x2c: {  	s7 =	sld [smem:$0x3FB4]  }
0x2d: {  	s3 =	simm.s32 $0x108;
	s8 =	sld [smem:$0x3FB5]  }
0x2e: {  	s3 =	simm.s32 @!p0 $0x1082;
	s9 =	sld [smem:$0x3FB6]  }
0x2f: {  	lr =	sadd.s32 s0, s3;
	s0 =	sld [smem:$0x3FAD]  }
0x30: {  	s3 =	sld [smem:$0x3FB0]  }
0x31: {  	[smem:$0x3FB9] =	sst s10  }
0x32: {  	s10 =	sld [smem:$0x3FB7];
	_ =	sdelay $0x3  }
0x33: {  	p0 =	seq.s32 s10, $0x1;
	s10 =	sld [smem:$0x3FB9];
	_ =	sdelay $0x3  }
0x34: {  	[smem:$0x3FB9] =	sst s10  }
0x35: {  	s10 =	sld [smem:$0x3FB8];
	_ =	sdelay $0x3  }
0x36: {  	p1 =	seq.s32 s10, $0x1;
	s10 =	sld [smem:$0x3FB9];
	_ =	sdelay $0x3  }
0x37: {  	[smem:$0x3FB9] =	sst s10  }
0x38: {  	s10 =	sld [smem:$0x3FBA]  }
0x39: {  	_ = 	snop;
	(pc) =	sbr.ind lr, $3  }
0x3a: {  	_ = 	snop  }
0x3b: {  	_ = 	snop  }
0x3c: {  	p2 =	seq.s32 s10, $0x1;
	s10 =	sld [smem:$0x3FB9]  }
0x3d: {  	_ =	shalt  }
0x3e: {  	_ =	shalt  }
0x3f: {  	_ =	shalt  }
0x40: {  	_ =	shalt  }
0x41: {  	_ =	shalt  }
0x42: {  	_ =	shalt  }
0x43: {  	_ =	shalt  }
0x44: {  	_ =	shalt  }
0x45: {  	_ =	shalt  }
0x46: {  	_ =	shalt  }
0x47: {  	_ =	shalt  }
0x48: {  	_ =	shalt  }
0x49: {  	_ =	shalt  }
0x4a: {  	_ =	shalt  }
0x4b: {  	_ =	shalt  }
0x4c: {  	_ =	shalt  }
0x4d: {  	_ =	shalt  }
0x4e: {  	_ =	shalt  }
0x4f: {  	_ =	shalt  }
0x50: {  	_ =	shalt  }
0x51: {  	_ =	shalt  }
0x52: {  	_ =	shalt  }
0x53: {  	_ =	shalt  }
0x54: {  	_ =	shalt  }
0x55: {  	_ =	shalt  }
0x56: {  	_ =	shalt  }
0x57: {  	_ =	shalt  }
0x58: {  	_ =	shalt  }
0x59: {  	_ =	shalt  }
0x5a: {  	_ =	shalt  }
0x5b: {  	_ =	shalt  }
0x5c: {  	_ =	shalt  }
0x5d: {  	_ =	shalt  }
0x5e: {  	_ =	shalt  }
0x5f: {  	_ =	shalt  }
0x60: {  	_ =	shalt  }
0x61: {  	_ =	shalt  }
0x62: {  	_ =	shalt  }
0x63: {  	_ =	shalt  }
0x64: {  	_ =	shalt  }
0x65: {  	_ =	shalt  }
0x66: {  	_ =	shalt  }
0x67: {  	_ =	shalt  }
0x68: {  	_ =	shalt  }
0x69: {  	_ =	shalt  }
0x6a: {  	_ =	shalt  }
0x6b: {  	_ =	shalt  }
0x6c: {  	_ =	shalt  }
0x6d: {  	_ =	shalt  }
0x6e: {  	_ =	shalt  }
0x6f: {  	_ =	shalt  }
0x70: {  	_ =	shalt  }
0x71: {  	_ =	shalt  }
0x72: {  	_ =	shalt  }
0x73: {  	_ =	shalt  }
0x74: {  	_ =	shalt  }
0x75: {  	_ =	shalt  }
0x76: {  	_ =	shalt  }
0x77: {  	_ =	shalt  }
0x78: {  	_ =	shalt  }
0x79: {  	_ =	shalt  }
0x7a: {  	_ =	shalt  }
0x7b: {  	_ =	shalt  }
0x7c: {  	_ =	shalt  }
0x7d: {  	_ =	shalt  }
0x7e: {  	_ =	shalt  }
0x7f: {  	_ =	shalt  }
0x80: {  	_ =	shalt  }
0x81: {  	_ =	shalt  }
0x82: {  	_ =	shalt  }
0x83: {  	_ =	shalt  }
0x84: {  	_ =	shalt  }
0x85: {  	_ =	shalt  }
0x86: {  	_ =	shalt  }
0x87: {  	_ =	shalt  }
.Lfunc_end0:
.L_simem_size_0:
called_computation.1_lowered:
.L_overlay_start_0:
0x88: {  	s2 =	sld [smem:$0x3FD9]  }
0x89: {  	s3 =	sld [smem:$0x3FFE];
	_ =	sdelay $0x1  }
0x8a: {  	s1 =	srdreg.scid  }
0x8b: {  	s0 =	sand.u32 $0x1, s1  }
0x8c: {  	s17 =	sshll.u32 s0, $0xA;
	s2 =	sadd.s32 s3, s2  }
0x8d: {  	s2 =	sadd.s32 s2, s17  }
0x8e: {  	[smem:$0x3FC5] =	sst s2  }
0x8f: {  	_ = 	snop  }
0x90: {  	s2 =	sld [smem:$0x3FC9]  }
0x91: {  	s18 =	sld [smem:$0x3FD0];
	(tm) =	ssettm $0x1  }
0x92: {  	s4 =	sld [smem:$0x3FFB];
	_ =	sdelay $0x3  }
0x93: {  	_ =	strace s4  }
0x94: {  	s4 =	sld [smem:$0x3FFC];
	_ =	sdelay $0x3  }
0x95: {  	_ =	strace s4  }
0x96: {  	s4 =	sld [smem:$0x3FFD];
	_ =	sdelay $0x3  }
0x97: {  	_ =	strace s4  }
0x98: {  	_ =	strace $0x8FFFFFFF  }
0x99: {  	s19 =	sld [smem:$0x3FDB];
	_ =	sdelay $0x1  }
0x9a: {  	s5 =	simm.s32 $_scs_section_size  }
0x9b: {  	s6 =	simm.s32 $_size__tile_overlayer_lowered;
	s7 =	simm.s32 $_tile_overlayer_lowered  }
0x9c: {  	s22 =	simm.s32 $0x1BFF;
	s21 =	sshll.u32 s7, $0x1;
	s4 =	sadd.s32 s5, s19  }
0x9d: {  	s8 =	simm.s32 $0x0;
	s20 =	sshll.u32 s6, $0x1;
	s6 =	sadd.s32 s21, s4  }
0x9e: {  	[timem:s8], [sflag:s22] =	dma.local [hbm:s6], s20  }
0x9f: {  	_ =	swait.ge [sflag:s22], s20  }
0xa0: {  	s5 =	ssub.s32 $0x0, s20;
	[sflag:s22] =	ssyncset.done $0x0  }
0xa1: {  	[sflag:s22] =	ssyncadd.s32 s5;
	_ =	sdelay $0x1  }
0xa2: {  	s23 =	simm.s32 $0x1B8B  }
0xa3: {  	_ =	swait.ge [sflag:s23], $0x1  }
0xa4: {  	[sflag:s23] =	ssyncset.done $0x0  }
0xa5: {  	s25 =	simm.s32 $0x1B8E;
	s24 =	sld [smem:$0x3FFE];
	[sflag:s23] =	ssyncadd.s32 $0xFFFFFFFF  }
0xa6: {  	s26 =	simm.s32 $execute0_lowered;
	[smem:$0x3FD2] =	sst s25  }
0xa7: {  	s6 =	sshll.u32 s26, $0x1;
	_ =	strace $0x80000049;
	[dreg:$0x1] =	wrdreg $0xFFFFFFFF  }
0xa8: {  	s28 =	simm.s32 $_size_execute0_lowered;
	s4 =	sadd.s32 s4, s6;
	[dreg:$0x0] =	wrdreg $0x0  }
0xa9: {  	s6 =	sshll.u32 s28, $0x1;
	[dreg:$0x2] =	wrdreg s4  }
0xaa: {  	[dreg:$0x3] =	wrdreg s6  }
0xab: {  	[dreg:$0x4] =	wrdreg $0xC0  }
0xac: {  	_ =	task [dreg:s8], $0x5FFFF  }
0xad: {  	[dreg:$0x1] =	wrdreg $0xFFFFFFFF  }
0xae: {  	[dreg:$0x0] =	wrdreg $0x60  }
0xaf: {  	[dreg:$0x2] =	wrdreg s24  }
0xb0: {  	[dreg:$0x3] =	wrdreg s2  }
0xb1: {  	[dreg:$0x4] =	wrdreg s18  }
0xb2: {  	[dreg:$0x5] =	wrdreg $0x9  }
0xb3: {  	_ =	task.clear_ibuf [dreg:s8], $0x6FFFF;
	_ =	strace $0x90000049  }
0xb4: {  	s29 =	simm.s32 $0x9;
	_ =	strace $0x8000004B  }
0xb5: {  	_ =	swait.ge [sflag:s29], $0x1  }
0xb6: {  	[sflag:s29] =	ssyncadd.s32 $0xFFFFFFFF  }
0xb7: {  	_ =	strace $0x9000004B  }
0xb8: {  	_ =	sfence  }
0xb9: {  	s30 =	sld [smem:$0x0];
	_ =	sdelay $0x2  }
0xba: {  	s31 =	sshll.u32 s1, $0xD;
	s1 =	sshrl.u32 s1, $0x2  }
0xbb: {  	s3 =	sand.u32 $0x4000, s31;
	s1 =	sadd.s32 s1, s30  }
0xbc: {  	s0 =	sor.u32 s3, s0;
	s1 =	sshll.u32 s1, $0x11  }
0xbd: {  	s0 =	sor.u32 s1, s0  }
0xbe: {  	s0 =	sadd.s32 $0x8F2B, s0  }
0xbf: {  	[sflag:s0] =	ssyncadd.remote.s32 $0x1  }
0xc0: {  	_ =	sfence.sel $0xFFFF  }
0xc1: {  	[dreg:$0x0] =	wrdreg $0xFFFFFFFF;
	(pc) =	sbr.abs _section_cstart, $3  }
0xc2: {  	[dreg:$0x1] =	wrdreg $0xFFFFFFFF  }
0xc3: {  	_ =	task.clear_ibuf [dreg:s8], $0x2FFFF;
	_ =	strace $0x9FFFFFFF  }
0xc4: {  	(tm) =	ssettm $0x7FFFFFFF  }
0xc5: {  	_ =	shalt  }
tec
execute0_lowered:
.L_overlay_start_1:
0x0: {  	(tag) =	ssettag $0x1  }
0x1: {  	s0 =	rddreg [dreg:$0x0]  }
0x2: {  	s1 =	rddreg [dreg:$0x1]  }
0x3: {  	s2 =	rddreg [dreg:$0x2];
	s3 =	srdreg.scid;
	s4 =	simm.s32 $0x0  }
0x4: {  	s7 =	stileid.u32;
	s12 =	simm.s32 $0xF000;
	s13 =	simm.s32 $0x5  }
0x5: {  	s14 =	simm.s32 $0x13000;
	s15 =	simm.s32 $0x50;
	s16 =	simm.s32 $0x5000  }
0x6: {  	s18 =	simm.s32 $0x2800;
	s19 =	simm.s32 $0x13080;
	s20 =	simm.s32 $0x7800  }
0x7: {  	s21 =	simm.s32 $0x1;
	s22 =	simm.s32 $0xA000;
	s23 =	simm.s32 $0x2  }
0x8: {  	s24 =	simm.s32 $0xC800;
	s25 =	simm.s32 $0x3;
	s3 =	sand.u32 $0x1, s3  }
0x9: {  	s26 =	simm.s32 $0x4;
	s28 =	simm.s32 $0x0;
	s6 =	sshll.u32 s3, $0x4  }
0xa: {  	[smem:$0x7FF] =	sst s4;
	s5 =	sadd.s32 $0x3A000, s0;
	s6 =	sor.u32 s7, s6  }
0xb: {  	_ =	strace $0x8000004A;
	s3 =	ssub.s32 $0x2, s3;
	s8 =	smul.u32 $0x138800, s6  }
0xc: {  	s30 =	sshrl.u32 s3, $0x1;
	s7 =	sshll.u32 s6, $0xB;
	s6 =	smul.u32 $0x2710, s6  }
0xd: {  	s3 =	ssub.s32 s3, s30;
	s0 =	sadd.s32 s7, s0;
	s10 =	sshrl.u32 s8, $0x3  }
0xe: {  	s11 =	smax.u32 s3, $0x1;
	s7 =	sadd.s32 $0x2A000, s0;
	s31 =	sadd.s32 s2, s10  }
0xf: {  	s8 =	sadd.s32 $0x1A000, s0;
	s9 =	sadd.s32 $0x50, s6;
	s10 =	sadd.s32 $0x26C00, s31  }
.LBB2_1:
0x10: {  	[tilespmem:s12], [sflag:$0x5] =	stream.linear.gather [hbm4b:s7+s4], $0x3E80, $0x38;
	[tilespmem:$0x17000] =	vst v63  }
0x11: {  	_ =	swait.ge [sflag:s13], $0x3E80  }
0x12: {  	[sflag:s13] =	ssyncset.done $0x0  }
0x13: {  	[sflag:s13] =	ssyncadd.s32 $0xFFFFC180  }
0x14: {  	[tilespmem:s14], [sflag:$0x5] =	stream.linear.gather [hbm4b:s8+s4], $0x3E80, $0x38;
	[tilespmem:$0x17000] =	vst v63  }
0x15: {  	_ =	swait.ge [sflag:s13], $0x3E80  }
0x16: {  	[sflag:s13] =	ssyncset.done $0x0  }
0x17: {  	[sflag:s13] =	ssyncadd.s32 $0xFFFFC180  }
0x18: {  	[tilespmem:s4], [sflag:$0x1] =	stream.indirect.gather [hbm4b:s5+s15], $0x80, s12, s15, $0xb8;
	[tilespmem:$0x17000] =	vst v63  }
0x19: {  	_ = 	snop  }
0x1a: {  	[tilespmem:s16], [sflag:$0x1] =	stream.indirect.gather [hbm4b:s1+s15], $0x80, s14, s15, $0xb8;
	[tilespmem:$0x17000] =	vst v63  }
0x1b: {  	s0 =	simm.s32 $0xF080  }
0x1c: {  	[tilespmem:s18], [sflag:$0x2] =	stream.indirect.gather [hbm4b:s5+s15], $0x80, s0, s15, $0xb8;
	[tilespmem:$0x17000] =	vst v63  }
0x1d: {  	s29 =	simm.s32 $0x0  }
0x1e: {  	[tilespmem:s20], [sflag:$0x2] =	stream.indirect.gather [hbm4b:s1+s15], $0x80, s19, s15, $0xb8;
	[tilespmem:$0x17000] =	vst v63  }
.LBB2_2:
0x1f: {  	_ =	swait.ge [sflag:s21], $0x2800  }
0x20: {  	[sflag:s21] =	ssyncset.done $0x0  }
0x21: {  	[sflag:s21] =	ssyncadd.s32 $0xFFFFD800  }
0x22: {  	_ =	swait.ge [sflag:s21], $0x2800  }
0x23: {  	p0 =	seq.s32 s29, $0x0;
	[sflag:s21] =	ssyncset.done $0x0  }
0x24: {  	s0 =	simm.s32 @!p0 $0x3;
	[sflag:s21] =	ssyncadd.s32 $0xFFFFD800  }
0x25: {  	_ =	swait.ge @!p0 [sflag:s0], $0x2800  }
0x26: {  	[sflag:s0] =	ssyncset.done @!p0 $0x0  }
0x27: {  	s31 =	simm.s32 $0x0;
	[sflag:s0] =	ssyncadd.s32 @!p0 $0xFFFFD800  }
0x28: {  	v0 =	vld [tilespmem:s31+$0x70]  }
0x29: {  	v1 =	vld [tilespmem:s31+$0x5070]  }
0x2a: {  	v2 =	vld [tilespmem:s31+$0x0]  }
0x2b: {  	v3 =	vld [tilespmem:s31+$0x5000]  }
0x2c: {  	v4 =	vld [tilespmem:s31+$0x10]  }
0x2d: {  	v5 =	vld [tilespmem:s31+$0x5010]  }
0x2e: {  	v6 =	vld [tilespmem:s31+$0x20]  }
0x2f: {  	v7 =	vld [tilespmem:s31+$0x30]  }
0x30: {  	v0 =	vsub.f32 v0, v1;
	v1 =	vld [tilespmem:s31+$0x5020]  }
0x31: {  	v8 =	vld [tilespmem:s31+$0x5030]  }
0x32: {  	v9 =	vld [tilespmem:s31+$0x5040];
	v2 =	vsub.f32 v2, v3  }
0x33: {  	[tilespmem:s31+$0xA070] =	vst v0;
	v0 =	vsub.f32 v4, v5;
	v5 =	vld [tilespmem:s31+$0x40]  }
0x34: {  	v3 =	vld [tilespmem:s31+$0x5050];
	[tilespmem:s31+$0xA000] =	vst v2  }
0x35: {  	v2 =	vld [tilespmem:s31+$0x50];
	[tilespmem:s31+$0xA010] =	vst v0;
	v0 =	vsub.f32 v6, v1  }
0x36: {  	v4 =	vld [tilespmem:s31+$0x5060];
	v6 =	vsub.f32 v7, v8  }
0x37: {  	s0 =	simm.s32 $0x80;
	[tilespmem:s31+$0xA020] =	vst v0;
	v0 =	vld [tilespmem:s31+$0x60]  }
0x38: {  	s30 =	sshll.u32 s29, $0x8;
	s3 =	simm.s32 $0x400;
	v5 =	vsub.f32 v5, v9;
	v1 =	vld [tilespmem:s0+$0x70];
	[tilespmem:s31+$0xA030] =	vst v6  }
.LBB2_3:
0x39: {  	p1 =	sne.s32 s3, $0x9E00;
	v6 =	vld [tilespmem:s0+$0x5070]  }
0x3a: {  	v7 =	vld [tilespmem:s0+$0x0];
	[tilespmem:s31+$0xA040] =	vst v5;
	v2 =	vsub.f32 v2, v3  }
0x3b: {  	v3 =	vld [tilespmem:s0+$0x5000]  }
0x3c: {  	v5 =	vld [tilespmem:s0+$0x10];
	[tilespmem:s31+$0xA050] =	vst v2;
	v0 =	vsub.f32 v0, v4  }
0x3d: {  	v2 =	vld [tilespmem:s0+$0x5010]  }
0x3e: {  	v4 =	vld [tilespmem:s0+$0x20];
	v1 =	vsub.f32 v1, v6;
	[tilespmem:s31+$0xA060] =	vst v0;
	s31 =	smov.u32 s0  }
0x3f: {  	v0 =	vld [tilespmem:s31+$0x5020]  }
0x40: {  	v3 =	vsub.f32 v7, v3;
	v6 =	vld [tilespmem:s31+$0x30];
	[tilespmem:s31+$0xA070] =	vst v1  }
0x41: {  	v1 =	vld [tilespmem:s31+$0x5030]  }
0x42: {  	[tilespmem:s31+$0xA000] =	vst v3;
	v2 =	vsub.f32 v5, v2;
	v5 =	vld [tilespmem:s31+$0x40]  }
0x43: {  	v7 =	vld [tilespmem:s31+$0x5040]  }
.Ltmp0:
0x44: {  	[tilespmem:s31+$0xA010] =	vst v2;
	v0 =	vsub.f32 v4, v0;
	v2 =	vld [tilespmem:s31+$0x50];
	(pc) =	sbr.rel @p1 .LBB2_3-.Ltmp0, $4  }
0x45: {  	v3 =	vld [tilespmem:s31+$0x5050]  }
0x46: {  	[tilespmem:s31+$0xA020] =	vst v0;
	v6 =	vsub.f32 v6, v1;
	v0 =	vld [tilespmem:s31+$0x60]  }
0x47: {  	s0 =	sshra.s32 s3, $0x2;
	v4 =	vld [tilespmem:s31+$0x5060]  }
0x48: {  	s3 =	sadd.s32 $0x200, s3;
	v1 =	vld [tilespmem:s0+$0x70];
	[tilespmem:s31+$0xA030] =	vst v6;
	v5 =	vsub.f32 v5, v7  }
0x49: {  	v6 =	vld [tilespmem:s0+$0x5070]  }
0x4a: {  	v7 =	vld [tilespmem:s0+$0x0];
	[tilespmem:s31+$0xA040] =	vst v5;
	v2 =	vsub.f32 v2, v3  }
0x4b: {  	v3 =	vld [tilespmem:s0+$0x5000]  }
0x4c: {  	v5 =	vld [tilespmem:s0+$0x10];
	[tilespmem:s31+$0xA050] =	vst v2;
	v0 =	vsub.f32 v0, v4  }
0x4d: {  	v2 =	vld [tilespmem:s0+$0x5010]  }
0x4e: {  	v4 =	vld [tilespmem:s0+$0x20];
	[tilespmem:s31+$0xA060] =	vst v0  }
0x4f: {  	v0 =	vsub.f32 v1, v6;
	v1 =	vld [tilespmem:s0+$0x5020]  }
0x50: {  	v6 =	vld [tilespmem:s0+$0x30]  }
0x51: {  	v3 =	vsub.f32 v7, v3;
	[tilespmem:s0+$0xA070] =	vst v0;
	v0 =	vld [tilespmem:s0+$0x5030]  }
0x52: {  	v7 =	vld [tilespmem:s0+$0x5060]  }
0x53: {  	[tilespmem:s0+$0xA000] =	vst v3;
	v2 =	vsub.f32 v5, v2;
	v3 =	vld [tilespmem:s0+$0x40]  }
0x54: {  	v5 =	vld [tilespmem:s0+$0x5040]  }
0x55: {  	[tilespmem:s0+$0xA010] =	vst v2;
	v1 =	vsub.f32 v4, v1;
	v2 =	vld [tilespmem:s0+$0x50]  }
0x56: {  	v4 =	vld [tilespmem:s0+$0x5050]  }
0x57: {  	[tilespmem:s0+$0xA020] =	vst v1;
	v1 =	vld [tilespmem:s0+$0x60];
	_ =	sdelay $0x1  }
0x58: {  	v0 =	vsub.f32 v6, v0  }
0x59: {  	s31 =	smul.u32 $0xA0, s29;
	v3 =	vsub.f32 v3, v5  }
0x5a: {  	[tilespmem:s0+$0xA030] =	vst v0;
	v0 =	vsub.f32 v2, v4  }
0x5b: {  	s3 =	sadd.s32 s6, s31;
	[tilespmem:s0+$0xA040] =	vst v3;
	v1 =	vsub.f32 v1, v7  }
0x5c: {  	s3 =	sshll.u32 s3, $0x4;
	[tilespmem:s0+$0xA050] =	vst v0  }
0x5d: {  	s17 =	sadd.s32 s2, s3;
	[tilespmem:s0+$0xA060] =	vst v1  }
0x5e: {  	[hbm4b:s17+s4] =	stream.linear.scatter [tilespmem:s22], [sflag:$0x3], $0x2800, $0x38;
	[tilespmem:$0x17000] =	vst v63  }
0x5f: {  	s3 =	sadd.s32 $0xF100, s30  }
0x60: {  	[tilespmem:s4], [sflag:$0x1] =	stream.indirect.gather [hbm4b:s5+s15], $0x80, s3, s15, $0xb8;
	[tilespmem:$0x17000] =	vst v63  }
0x61: {  	s17 =	sadd.s32 $0x13100, s30  }
0x62: {  	[tilespmem:s16], [sflag:$0x1] =	stream.indirect.gather [hbm4b:s1+s15], $0x80, s17, s15, $0xb8;
	[tilespmem:$0x17000] =	vst v63  }
0x63: {  	_ =	swait.ge [sflag:s23], $0x2800  }
0x64: {  	[sflag:s23] =	ssyncset.done $0x0  }
0x65: {  	[sflag:s23] =	ssyncadd.s32 $0xFFFFD800  }
0x66: {  	_ =	swait.ge [sflag:s23], $0x2800  }
0x67: {  	[sflag:s23] =	ssyncset.done $0x0  }
0x68: {  	s0 =	simm.s32 @!p0 $0x4;
	[sflag:s23] =	ssyncadd.s32 $0xFFFFD800  }
0x69: {  	_ =	swait.ge @!p0 [sflag:s0], $0x2800  }
0x6a: {  	[sflag:s0] =	ssyncset.done @!p0 $0x0  }
0x6b: {  	[sflag:s0] =	ssyncadd.s32 @!p0 $0xFFFFD800;
	s0 =	simm.s32 $0x0  }
0x6c: {  	v0 =	vld [tilespmem:s0+$0x2870]  }
0x6d: {  	v1 =	vld [tilespmem:s0+$0x7870]  }
0x6e: {  	v2 =	vld [tilespmem:s0+$0x2800]  }
0x6f: {  	v3 =	vld [tilespmem:s0+$0x7800]  }
0x70: {  	v4 =	vld [tilespmem:s0+$0x2810]  }
0x71: {  	v5 =	vld [tilespmem:s0+$0x7810]  }
0x72: {  	v6 =	vld [tilespmem:s0+$0x2820]  }
0x73: {  	v7 =	vld [tilespmem:s0+$0x2830]  }
0x74: {  	v0 =	vsub.f32 v0, v1;
	v1 =	vld [tilespmem:s0+$0x7820]  }
0x75: {  	v8 =	vld [tilespmem:s0+$0x7830]  }
0x76: {  	v9 =	vld [tilespmem:s0+$0x7840];
	v2 =	vsub.f32 v2, v3  }
0x77: {  	[tilespmem:s0+$0xC870] =	vst v0;
	v0 =	vsub.f32 v4, v5;
	v5 =	vld [tilespmem:s0+$0x2840]  }
0x78: {  	v3 =	vld [tilespmem:s0+$0x7850];
	[tilespmem:s0+$0xC800] =	vst v2  }
0x79: {  	v2 =	vld [tilespmem:s0+$0x2850];
	[tilespmem:s0+$0xC810] =	vst v0;
	v0 =	vsub.f32 v6, v1  }
0x7a: {  	v4 =	vld [tilespmem:s0+$0x7860];
	v6 =	vsub.f32 v7, v8  }
0x7b: {  	s3 =	simm.s32 $0x80;
	[tilespmem:s0+$0xC820] =	vst v0;
	v0 =	vld [tilespmem:s0+$0x2860]  }
0x7c: {  	s17 =	simm.s32 $0x400;
	v5 =	vsub.f32 v5, v9;
	v1 =	vld [tilespmem:s3+$0x2870];
	[tilespmem:s0+$0xC830] =	vst v6  }
.LBB2_5:
0x7d: {  	p0 =	sne.s32 s17, $0x9E00;
	v6 =	vld [tilespmem:s3+$0x7870]  }
0x7e: {  	v7 =	vld [tilespmem:s3+$0x2800];
	[tilespmem:s0+$0xC840] =	vst v5;
	v2 =	vsub.f32 v2, v3  }
0x7f: {  	v3 =	vld [tilespmem:s3+$0x7800]  }
0x80: {  	v5 =	vld [tilespmem:s3+$0x2810];
	[tilespmem:s0+$0xC850] =	vst v2;
	v0 =	vsub.f32 v0, v4  }
0x81: {  	v2 =	vld [tilespmem:s3+$0x7810]  }
0x82: {  	v4 =	vld [tilespmem:s3+$0x2820];
	v1 =	vsub.f32 v1, v6;
	[tilespmem:s0+$0xC860] =	vst v0;
	s0 =	smov.u32 s3  }
0x83: {  	v0 =	vld [tilespmem:s0+$0x7820]  }
0x84: {  	v3 =	vsub.f32 v7, v3;
	v6 =	vld [tilespmem:s0+$0x2830];
	[tilespmem:s0+$0xC870] =	vst v1  }
0x85: {  	v1 =	vld [tilespmem:s0+$0x7830]  }
0x86: {  	[tilespmem:s0+$0xC800] =	vst v3;
	v2 =	vsub.f32 v5, v2;
	v5 =	vld [tilespmem:s0+$0x2840]  }
0x87: {  	v7 =	vld [tilespmem:s0+$0x7840]  }
.Ltmp1:
0x88: {  	[tilespmem:s0+$0xC810] =	vst v2;
	v0 =	vsub.f32 v4, v0;
	v2 =	vld [tilespmem:s0+$0x2850];
	(pc) =	sbr.rel @p0 .LBB2_5-.Ltmp1, $4  }
0x89: {  	v3 =	vld [tilespmem:s0+$0x7850]  }
0x8a: {  	[tilespmem:s0+$0xC820] =	vst v0;
	v6 =	vsub.f32 v6, v1;
	v0 =	vld [tilespmem:s0+$0x2860]  }
0x8b: {  	s3 =	sshra.s32 s17, $0x2;
	v4 =	vld [tilespmem:s0+$0x7860]  }
0x8c: {  	s17 =	sadd.s32 $0x200, s17;
	v1 =	vld [tilespmem:s3+$0x2870];
	[tilespmem:s0+$0xC830] =	vst v6;
	v5 =	vsub.f32 v5, v7  }
0x8d: {  	v6 =	vld [tilespmem:s3+$0x7870]  }
0x8e: {  	v7 =	vld [tilespmem:s3+$0x2800];
	[tilespmem:s0+$0xC840] =	vst v5;
	v2 =	vsub.f32 v2, v3  }
0x8f: {  	v51 =	vld [tilespmem:s3+$0x7800]  }
0x90: {  	v5 =	vld [tilespmem:s3+$0x2810];
	[tilespmem:s0+$0xC850] =	vst v2;
	v0 =	vsub.f32 v0, v4  }
0x91: {  	v2 =	vld [tilespmem:s3+$0x7810]  }
0x92: {  	v52 =	vld [tilespmem:s3+$0x2820];
	[tilespmem:s0+$0xC860] =	vst v0  }
0x93: {  	v54 =	vld [tilespmem:s3+$0x7820]  }
0x94: {  	v55 =	vld [tilespmem:s3+$0x2830]  }
0x95: {  	v56 =	vld [tilespmem:s3+$0x7830]  }
0x96: {  	v57 =	vld [tilespmem:s3+$0x2840]  }
0x97: {  	v58 =	vld [tilespmem:s3+$0x7840]  }
0x98: {  	v59 =	vld [tilespmem:s3+$0x2850]  }
0x99: {  	v53 =	vsub.f32 v1, v6;
	v60 =	vld [tilespmem:s3+$0x7850]  }
0x9a: {  	v61 =	vld [tilespmem:s3+$0x2860];
	v3 =	vsub.f32 v7, v51  }
0x9b: {  	v62 =	vld [tilespmem:s3+$0x7860];
	[tilespmem:s3+$0xC870] =	vst v53;
	v2 =	vsub.f32 v5, v2  }
0x9c: {  	[tilespmem:s3+$0xC800] =	vst v3;
	v1 =	vsub.f32 v52, v54  }
0x9d: {  	[tilespmem:s3+$0xC810] =	vst v2;
	v0 =	vsub.f32 v55, v56  }
0x9e: {  	p0 =	seq.s32 s29, $0x3D;
	v3 =	vsub.f32 v57, v58;
	[tilespmem:s3+$0xC820] =	vst v1  }
.Ltmp2:
0x9f: {  	v63 =	vsub.f32 v59, v60;
	[tilespmem:s3+$0xC830] =	vst v0;
	(pc) =	sbr.rel @p0 .LBB2_8-.Ltmp2, $4  }
0xa0: {  	s31 =	sadd.s32 s31, s9;
	[tilespmem:s3+$0xC840] =	vst v3;
	v1 =	vsub.f32 v61, v62  }
0xa1: {  	s0 =	sshll.u32 s31, $0x4;
	[tilespmem:s3+$0xC850] =	vst v63  }
0xa2: {  	s0 =	sadd.s32 s2, s0;
	[tilespmem:s3+$0xC860] =	vst v1  }
0xa3: {  	[hbm4b:s0+s4] =	stream.linear.scatter [tilespmem:s24], [sflag:$0x4], $0x2800, $0x38;
	[tilespmem:$0x17000] =	vst v63  }
.Ltmp3:
0xa4: {  	(pc) =	sbr.rel .LBB2_2-.Ltmp3, $4  }
0xa5: {  	s0 =	sadd.s32 $0xF180, s30  }
0xa6: {  	[tilespmem:s18], [sflag:$0x2] =	stream.indirect.gather [hbm4b:s5+s15], $0x80, s0, s15, $0xb8;
	[tilespmem:$0x17000] =	vst v63  }
0xa7: {  	s31 =	sadd.s32 $0x13180, s30;
	s29 =	sadd.s32 $0x1, s29  }
0xa8: {  	[tilespmem:s20], [sflag:$0x2] =	stream.indirect.gather [hbm4b:s1+s15], $0x80, s31, s15, $0xb8;
	[tilespmem:$0x17000] =	vst v63  }
.LBB2_8:
0xa9: {  	_ =	swait.ge [sflag:s21], $0x2800  }
0xaa: {  	[sflag:s21] =	ssyncset.done $0x0  }
0xab: {  	[sflag:s21] =	ssyncadd.s32 $0xFFFFD800  }
0xac: {  	_ =	swait.ge [sflag:s21], $0x2800  }
0xad: {  	[sflag:s21] =	ssyncset.done $0x0  }
0xae: {  	[sflag:s21] =	ssyncadd.s32 $0xFFFFD800  }
0xaf: {  	_ =	swait.ge [sflag:s25], $0x2800  }
0xb0: {  	[sflag:s25] =	ssyncset.done $0x0  }
0xb1: {  	s0 =	simm.s32 $0x0;
	[sflag:s25] =	ssyncadd.s32 $0xFFFFD800  }
0xb2: {  	v0 =	vld [tilespmem:s0+$0x70]  }
0xb3: {  	v1 =	vld [tilespmem:s0+$0x5070]  }
0xb4: {  	v2 =	vld [tilespmem:s0+$0x0]  }
0xb5: {  	v3 =	vld [tilespmem:s0+$0x5000]  }
0xb6: {  	v4 =	vld [tilespmem:s0+$0x10]  }
0xb7: {  	v5 =	vld [tilespmem:s0+$0x5010]  }
0xb8: {  	v6 =	vld [tilespmem:s0+$0x20]  }
0xb9: {  	v7 =	vld [tilespmem:s0+$0x30]  }
0xba: {  	v0 =	vsub.f32 v0, v1;
	v1 =	vld [tilespmem:s0+$0x5020]  }
0xbb: {  	v8 =	vld [tilespmem:s0+$0x5030]  }
0xbc: {  	v9 =	vld [tilespmem:s0+$0x5040];
	v2 =	vsub.f32 v2, v3  }
0xbd: {  	[tilespmem:s0+$0xA070] =	vst v0;
	v0 =	vsub.f32 v4, v5;
	v5 =	vld [tilespmem:s0+$0x40]  }
0xbe: {  	v3 =	vld [tilespmem:s0+$0x5050];
	[tilespmem:s0+$0xA000] =	vst v2  }
0xbf: {  	v2 =	vld [tilespmem:s0+$0x50];
	[tilespmem:s0+$0xA010] =	vst v0;
	v0 =	vsub.f32 v6, v1  }
0xc0: {  	v4 =	vld [tilespmem:s0+$0x5060];
	v6 =	vsub.f32 v7, v8  }
0xc1: {  	s3 =	simm.s32 $0x80;
	[tilespmem:s0+$0xA020] =	vst v0;
	v0 =	vld [tilespmem:s0+$0x60]  }
0xc2: {  	s17 =	simm.s32 $0x400;
	v5 =	vsub.f32 v5, v9;
	v1 =	vld [tilespmem:s3+$0x70];
	[tilespmem:s0+$0xA030] =	vst v6  }
.LBB2_9:
0xc3: {  	p0 =	sne.s32 s17, $0x9E00;
	v6 =	vld [tilespmem:s3+$0x5070]  }
0xc4: {  	v7 =	vld [tilespmem:s3+$0x0];
	[tilespmem:s0+$0xA040] =	vst v5;
	v2 =	vsub.f32 v2, v3  }
0xc5: {  	v3 =	vld [tilespmem:s3+$0x5000]  }
0xc6: {  	v5 =	vld [tilespmem:s3+$0x10];
	[tilespmem:s0+$0xA050] =	vst v2;
	v0 =	vsub.f32 v0, v4  }
0xc7: {  	v2 =	vld [tilespmem:s3+$0x5010]  }
0xc8: {  	v4 =	vld [tilespmem:s3+$0x20];
	v1 =	vsub.f32 v1, v6;
	[tilespmem:s0+$0xA060] =	vst v0;
	s0 =	smov.u32 s3  }
0xc9: {  	v0 =	vld [tilespmem:s0+$0x5020]  }
0xca: {  	v3 =	vsub.f32 v7, v3;
	v6 =	vld [tilespmem:s0+$0x30];
	[tilespmem:s0+$0xA070] =	vst v1  }
0xcb: {  	v1 =	vld [tilespmem:s0+$0x5030]  }
0xcc: {  	[tilespmem:s0+$0xA000] =	vst v3;
	v2 =	vsub.f32 v5, v2;
	v5 =	vld [tilespmem:s0+$0x40]  }
0xcd: {  	v7 =	vld [tilespmem:s0+$0x5040]  }
.Ltmp4:
0xce: {  	[tilespmem:s0+$0xA010] =	vst v2;
	v0 =	vsub.f32 v4, v0;
	v2 =	vld [tilespmem:s0+$0x50];
	(pc) =	sbr.rel @p0 .LBB2_9-.Ltmp4, $4  }
0xcf: {  	v3 =	vld [tilespmem:s0+$0x5050]  }
0xd0: {  	[tilespmem:s0+$0xA020] =	vst v0;
	v6 =	vsub.f32 v6, v1;
	v0 =	vld [tilespmem:s0+$0x60]  }
0xd1: {  	s3 =	sshra.s32 s17, $0x2;
	v4 =	vld [tilespmem:s0+$0x5060]  }
0xd2: {  	s17 =	sadd.s32 $0x200, s17;
	v1 =	vld [tilespmem:s3+$0x70];
	[tilespmem:s0+$0xA030] =	vst v6;
	v5 =	vsub.f32 v5, v7  }
0xd3: {  	v6 =	vld [tilespmem:s3+$0x5070]  }
0xd4: {  	v7 =	vld [tilespmem:s3+$0x0];
	[tilespmem:s0+$0xA040] =	vst v5;
	v2 =	vsub.f32 v2, v3  }
0xd5: {  	v51 =	vld [tilespmem:s3+$0x5000]  }
0xd6: {  	v5 =	vld [tilespmem:s3+$0x10];
	[tilespmem:s0+$0xA050] =	vst v2;
	v0 =	vsub.f32 v0, v4  }
0xd7: {  	v2 =	vld [tilespmem:s3+$0x5010]  }
0xd8: {  	v52 =	vld [tilespmem:s3+$0x20];
	[tilespmem:s0+$0xA060] =	vst v0  }
0xd9: {  	v54 =	vld [tilespmem:s3+$0x5020]  }
0xda: {  	v55 =	vld [tilespmem:s3+$0x30]  }
0xdb: {  	v56 =	vld [tilespmem:s3+$0x5030]  }
0xdc: {  	v57 =	vld [tilespmem:s3+$0x40]  }
0xdd: {  	v58 =	vld [tilespmem:s3+$0x5040]  }
0xde: {  	v59 =	vld [tilespmem:s3+$0x50]  }
0xdf: {  	v53 =	vsub.f32 v1, v6;
	v60 =	vld [tilespmem:s3+$0x5050]  }
0xe0: {  	v61 =	vld [tilespmem:s3+$0x60];
	v3 =	vsub.f32 v7, v51  }
0xe1: {  	v62 =	vld [tilespmem:s3+$0x5060];
	[tilespmem:s3+$0xA070] =	vst v53;
	v2 =	vsub.f32 v5, v2  }
0xe2: {  	[tilespmem:s3+$0xA000] =	vst v3;
	v1 =	vsub.f32 v52, v54  }
0xe3: {  	[tilespmem:s3+$0xA010] =	vst v2;
	v0 =	vsub.f32 v55, v56  }
0xe4: {  	v3 =	vsub.f32 v57, v58;
	[tilespmem:s3+$0xA020] =	vst v1  }
0xe5: {  	v63 =	vsub.f32 v59, v60;
	[tilespmem:s3+$0xA030] =	vst v0  }
0xe6: {  	[tilespmem:s3+$0xA040] =	vst v3;
	v1 =	vsub.f32 v61, v62  }
0xe7: {  	[tilespmem:s3+$0xA050] =	vst v63  }
0xe8: {  	s28 =	sadd.s32 $0x1, s28;
	[tilespmem:s3+$0xA060] =	vst v1  }
0xe9: {  	[hbm4b:s10+s4] =	stream.linear.scatter [tilespmem:s22], [sflag:$0x3], $0x2800, $0x38;
	[tilespmem:$0x17000] =	vst v63  }
0xea: {  	p0 =	sne.s32 s28, s11;
	_ =	swait.ge [sflag:s26], $0x2800  }
.Ltmp5:
0xeb: {  	[sflag:s26] =	ssyncset.done $0x0;
	(pc) =	sbr.rel @p0 .LBB2_1-.Ltmp5, $4  }
0xec: {  	[sflag:s26] =	ssyncadd.s32 $0xFFFFD800  }
0xed: {  	_ =	swait.ge [sflag:s25], $0x2800  }
0xee: {  	[sflag:s25] =	ssyncset.done $0x0  }
0xef: {  	[sflag:s25] =	ssyncadd.s32 $0xFFFFD800  }
0xf0: {  	_ =	sfence.sel $0x180000  }
0xf1: {  	[bflag:$0x0] =	sbarrier.arrive $0xFFFF  }
0xf2: {  	_ =	strace $0x9000004A  }
0xf3: {  	s0 =	stileid.u32;
	[bflag:$0x2] =	sbarrier.arrive $0xFFFF  }
0xf4: {  	p0 =	sne.s32 s0, $0x0;
	s0 =	rddreg [dreg:$0x3]  }
0xf5: {  	s0 =	sadd.s32 @!p0 $0x100000, s0  }
0xf6: {  	[sflag:s0] =	ssyncadd.tile.s32 @!p0 $0x1;
	_ =	shalt  }
.Lfunc_end2:
_tile_overlayer_lowered:
.L_overlay_start_2:
0xf7: {  	(tag) =	ssettag $0x2  }
0xf8: {  	s0 =	rddreg [dreg:$0x0];
	s2 =	stileid.u32  }
0xf9: {  	s1 =	rddreg [dreg:$0x1];
	p0 =	sne.s32 s2, $0x0  }
0xfa: {  	s3 =	rddreg [dreg:$0x2];
	[bflag:$0x3] =	sbarrier.arrive $0xFFFF;
	s2 =	simm.s32 @!p0 $0x1C05  }
0xfb: {  	[timem:s3], [sflag:s2] =	dma.local @!p0 [hbm:s0], s1  }
0xfc: {  	s0 =	simm.s32 @!p0 $0x5  }
0xfd: {  	_ =	swait.ge @!p0 [sflag:s0], s1  }
0xfe: {  	s1 =	ssub.s32 @!p0 $0x0, s1;
	[sflag:s0] =	ssyncset.done @!p0 $0x0  }
0xff: {  	[sflag:s0] =	ssyncadd.s32 @!p0 s1  }
0x100: {  	[bflag:$0x3] =	sbarrier.arrive $0xFFFF  }
0x101: {  	_ =	shalt  }

</sc_bundles>
